<compile_context>
chip_gen: v7x
topology: tpu7x:2x2x1
jax: 0.10.2.dev20260603
libtpu: 0.0.44.dev20260713+nightly
codegen_flags: <defaults>
</compile_context>

<pallas_src>
import jax
import jax.numpy as jnp
from jax import lax
from jax.experimental import pallas as pl
from jax.experimental.pallas import tpu as pltpu
from jax.experimental.pallas import tpu_sc as plsc

N = 10000
E = 320000
F = 128
NCLS = 2
NPAD = 10240

NC = 2
NS = 16
NW = NC * NS
C = 125
EPT = E // NW
CPT = EPT // C
SL = 4
NSLAB = CPT // SL
ONES = 128
RPT = NPAD // NS
DPT = NPAD // NS

BM = 1000
GRID = N // BM



def _make_segsum(with_deg: bool):
  out_type = [jax.ShapeDtypeStruct((NC, NPAD, F), jnp.float32)]
  if with_deg:
    out_type.append(jax.ShapeDtypeStruct((NC, 1, NPAD), jnp.float32))
  mesh = plsc.VectorSubcoreMesh(core_axis_name="c", subcore_axis_name="s")
  scratch_types = [
      pltpu.VMEM((2, SL, 2, C), jnp.int32),
      pltpu.VMEM((2, C, F), jnp.float32),
      pltpu.VMEM_SHARED((NPAD, F), jnp.float32),
      pltpu.SemaphoreType.DMA,
      pltpu.SemaphoreType.DMA,
      pltpu.SemaphoreType.DMA,
      pltpu.VMEM((400,), jnp.float32),
  ]
  if with_deg:
    scratch_types += [
        pltpu.VMEM((ONES,), jnp.float32),
        pltpu.VMEM_SHARED((NPAD,), jnp.float32),
        pltpu.SemaphoreType.DMA,
    ]

  def body(x_hbm, idx_hbm, zx_hbm, zd_hbm, *rest):
    if with_deg:
      agg_out, deg_out = rest[0], rest[1]
      (idxs_v, rows_v, acc_sh, sem, semi, sems, dsc_v, ones_v, deg_sh,
       semd) = rest[2:]
    else:
      agg_out = rest[0]
      idxs_v, rows_v, acc_sh, sem, semi, sems, dsc_v = rest[1:]

    cid = lax.axis_index("c")
    sid = lax.axis_index("s")
    wid = sid * NC + cid

    rbase = sid * RPT
    pltpu.sync_copy(zx_hbm.at[pl.ds(rbase, RPT)], acc_sh.at[pl.ds(rbase, RPT)])
    if with_deg:
      dbase = sid * DPT
      pltpu.sync_copy(zd_hbm.at[pl.ds(dbase, DPT)],
                      deg_sh.at[pl.ds(dbase, DPT)])
      for j in range(ONES // 16):
        ones_v[pl.ds(j * 16, 16)] = jnp.ones((16,), jnp.float32)

    slab0 = wid * NSLAB
    pltpu.sync_copy(idx_hbm.at[slab0], idxs_v.at[0])
    plsc.subcore_barrier()

    def slab(s, carry):
      p = lax.rem(s, 2)

      @pl.when(s < NSLAB - 1)
      def _prefetch():
        pltpu.async_copy(idx_hbm.at[slab0 + s + 1], idxs_v.at[1 - p], semi)

      pltpu.async_copy(x_hbm.at[idxs_v.at[p, 0, 0]], rows_v.at[0], sem)

      def chunk(q, c2):
        qm = lax.rem(q, 2)

        @pl.when(q < SL - 1)
        def _fire():
          @pl.when(q >= 1)
          def _free():
            pltpu.make_async_copy(rows_v.at[1 - qm],
                                  acc_sh.at[idxs_v.at[p, q - 1, 1]],
                                  sems).wait()
          pltpu.async_copy(x_hbm.at[idxs_v.at[p, q + 1, 0]], rows_v.at[1 - qm],
                           sem)

        pltpu.make_async_copy(x_hbm.at[idxs_v.at[p, q, 0]], rows_v.at[qm],
                              sem).wait()
        pltpu.async_copy(rows_v.at[qm], acc_sh.at[idxs_v.at[p, q, 1]], sems,
                         add=True)
        if with_deg:
          pltpu.async_copy(ones_v.at[pl.ds(0, C)],
                           deg_sh.at[idxs_v.at[p, q, 1]], semd, add=True)
        return c2

      lax.fori_loop(0, SL, chunk, 0)
      pltpu.make_async_copy(rows_v.at[0], acc_sh.at[idxs_v.at[p, 0, 1]],
                            sems).wait()
      pltpu.make_async_copy(rows_v.at[0], acc_sh.at[idxs_v.at[p, 0, 1]],
                            sems).wait()

      @pl.when(s < NSLAB - 1)
      def _drain():
        pltpu.make_async_copy(idx_hbm.at[slab0 + s + 1], idxs_v.at[1 - p],
                              semi).wait()
      return carry

    lax.fori_loop(0, NSLAB, slab, 0)
    if with_deg:
      def draind(q, c2):
        pltpu.make_async_copy(ones_v.at[pl.ds(0, C)],
                              deg_sh.at[idxs_v.at[0, 0, 1]], semd).wait()
        return c2
      lax.fori_loop(0, CPT, draind, 0)
    plsc.subcore_barrier()

    pltpu.sync_copy(acc_sh.at[pl.ds(rbase, RPT)],
                    agg_out.at[cid, pl.ds(rbase, RPT)])
    if with_deg:
      pltpu.sync_copy(deg_sh.at[pl.ds(dbase, DPT)],
                      deg_out.at[cid, 0, pl.ds(dbase, DPT)])

  return pl.kernel(body, mesh=mesh, out_type=out_type,
                   scratch_types=scratch_types)


_segsum_deg = _make_segsum(True)
_segsum = _make_segsum(False)



def _tcr_body(x_ref, w_ref, b_ref, out_ref):
  out_ref[...] = (jnp.dot(x_ref[...], w_ref[...],
                          preferred_element_type=jnp.float32) + b_ref[...])


def _tc1_body(aggp_ref, degt_ref, xr_ref, wl_ref, out_ref):
  d = degt_ref[...]
  deg = d[:, 0:1] + d[:, 1:2]
  inv = 1.0 / jnp.maximum(deg, 1.0)
  mean = (aggp_ref[0] + aggp_ref[1]) * inv
  h = (jnp.dot(mean, wl_ref[...], preferred_element_type=jnp.float32)
       + xr_ref[...])
  out_ref[...] = jnp.maximum(h, 0.0)


def _tc2_body(aggp_ref, degt_ref, hr_ref, wl_ref, wfc_ref, bfc_ref, out_ref):
  d = degt_ref[...]
  deg = d[:, 0:1] + d[:, 1:2]
  inv = 1.0 / jnp.maximum(deg, 1.0)
  mean = (aggp_ref[0] + aggp_ref[1]) * inv
  h = (jnp.dot(mean, wl_ref[...], preferred_element_type=jnp.float32)
       + hr_ref[...])
  h = jnp.maximum(h, 0.0)
  out_ref[...] = (jnp.dot(h, wfc_ref[...], preferred_element_type=jnp.float32)
                  + bfc_ref[...])


_AGG_SPEC = pl.BlockSpec((NC, BM, F), lambda m: (0, m, 0))
_DEG_SPEC = pl.BlockSpec((BM, NCLS), lambda m: (m, 0))
_ROW_SPEC = pl.BlockSpec((BM, F), lambda m: (m, 0))
_W_SPEC = pl.BlockSpec((F, F), lambda m: (0, 0))
_B_SPEC = pl.BlockSpec((1, F), lambda m: (0, 0))

_tcr = pl.pallas_call(
    _tcr_body,
    grid=(GRID,),
    in_specs=[_ROW_SPEC, _W_SPEC, _B_SPEC],
    out_specs=_ROW_SPEC,
    out_shape=jax.ShapeDtypeStruct((N, F), jnp.float32),
)

_tc1 = pl.pallas_call(
    _tc1_body,
    grid=(GRID,),
    in_specs=[_AGG_SPEC, _DEG_SPEC, _ROW_SPEC, _W_SPEC],
    out_specs=_ROW_SPEC,
    out_shape=jax.ShapeDtypeStruct((N, F), jnp.float32),
)

_tc2 = pl.pallas_call(
    _tc2_body,
    grid=(GRID,),
    in_specs=[_AGG_SPEC, _DEG_SPEC, _ROW_SPEC, _W_SPEC, _W_SPEC, _B_SPEC],
    out_specs=_ROW_SPEC,
    out_shape=jax.ShapeDtypeStruct((N, F), jnp.float32),
)


def kernel(x, edge_index, W1l, W1r, b1, W2l, W2r, b2, Wfc, bfc):
  srcr = edge_index[0].astype(jnp.int32).reshape(NW, NSLAB, SL, 1, C)
  dstr = edge_index[1].astype(jnp.int32).reshape(NW, NSLAB, SL, 1, C)
  idx = jnp.concatenate([srcr, dstr], axis=3).reshape(NW * NSLAB, SL, 2, C)
  zx = jnp.zeros((NPAD, F), jnp.float32)
  zd = jnp.zeros((NPAD,), jnp.float32)

  xr = _tcr(x, W1r.T, b1.reshape(1, F))
  aggp, degp = _segsum_deg(x, idx, zx, zd)
  degt = degp.reshape(NC, NPAD).T
  h = _tc1(aggp, degt, xr, W1l.T)

  hr = _tcr(h, W2r.T, b2.reshape(1, F))
  aggp2 = _segsum(h, idx, zx, zd)
  if isinstance(aggp2, (list, tuple)):
    aggp2 = aggp2[0]
  wfc_pad = jnp.zeros((F, F), jnp.float32).at[:, :NCLS].set(Wfc.T)
  bfc_pad = jnp.zeros((1, F), jnp.float32).at[0, :NCLS].set(bfc)
  out_pad = _tc2(aggp2, degt, hr, W2l.T, wfc_pad, bfc_pad)
  return out_pad[:, :NCLS]

# --- scband reference (transcript-rebuilt; emitter-appended) ---
"""Pipeline reference for scband-fraud-gnn-51067161150195 (READ-ONLY COPY).

The authoritative reference and input builder live on the scoring server;
editing this copy changes nothing except your own understanding.
"""

import jax, jax.numpy as jnp
import numpy as np

N_NODES = 10000
N_EDGES = 320000
IN_FEATS = 128
HIDDEN = 128
NUM_CLASSES = 2


def setup_inputs(seed: int = 0) -> dict:
    key = jax.random.key(seed)
    ks = jax.random.split(key, 10)
    x = jax.random.normal(ks[0], (N_NODES, IN_FEATS), dtype=jnp.float32)
    edge_index = jax.random.randint(ks[1], (2, N_EDGES), 0, N_NODES, dtype=jnp.int64 if jax.config.read('jax_enable_x64') else jnp.int32)
    s1 = 1.0 / np.sqrt(IN_FEATS)
    s2 = 1.0 / np.sqrt(HIDDEN)
    W1l = jax.random.uniform(ks[2], (HIDDEN, IN_FEATS), jnp.float32, -s1, s1)
    W1r = jax.random.uniform(ks[3], (HIDDEN, IN_FEATS), jnp.float32, -s1, s1)
    b1 = jnp.zeros((HIDDEN,), jnp.float32)
    W2l = jax.random.uniform(ks[4], (HIDDEN, HIDDEN), jnp.float32, -s2, s2)
    W2r = jax.random.uniform(ks[5], (HIDDEN, HIDDEN), jnp.float32, -s2, s2)
    b2 = jnp.zeros((HIDDEN,), jnp.float32)
    Wfc = jax.random.uniform(ks[6], (NUM_CLASSES, HIDDEN), jnp.float32, -s2, s2)
    bfc = jax.random.uniform(ks[7], (NUM_CLASSES,), jnp.float32, -s2, s2)
    return {"x": x, "edge_index": edge_index, "W1l": W1l, "W1r": W1r, "b1": b1,
            "W2l": W2l, "W2r": W2r, "b2": b2, "Wfc": Wfc, "bfc": bfc}


def _sage_conv(x, edge_index, W_l, W_r, b):
    # PyG SAGEConv with mean aggregation:
    # out = lin_l(mean_{j in N(i)} x_j) + lin_r(x_i); lin_l carries the bias.
    src = edge_index[0]
    dst = edge_index[1]
    msg = jnp.take(x, src, axis=0)
    agg = jax.ops.segment_sum(msg, dst, num_segments=x.shape[0])
    deg = jax.ops.segment_sum(jnp.ones((edge_index.shape[1],), x.dtype), dst,
                              num_segments=x.shape[0])
    mean = agg / jnp.clip(deg, 1.0, None)[:, None]
    return mean @ W_l.T + b + x @ W_r.T


def reference(x, edge_index, W1l, W1r, b1, W2l, W2r, b2, Wfc, bfc):
    h = _sage_conv(x, edge_index, W1l, W1r, b1)
    h = jax.nn.relu(h)
    h = _sage_conv(h, edge_index, W2l, W2r, b2)
    h = jax.nn.relu(h)
    out = h @ Wfc.T + bfc
    return out

if __name__ == "__main__":
    import jax
    _d = setup_inputs()
    print(jax.jit(kernel)(*tuple(_d.values())))

</pallas_src>

<mosaic_0001>
#map = affine_map<(d0, d1) -> (0, 0)>
#map1 = affine_map<(d0, d1) -> (0, 0, 0, 0)>
#map2 = affine_map<(d0, d1) -> (0)>
#map3 = affine_map<(d0, d1) -> (0, 0, 0)>
module attributes {stable_mosaic.version = 14 : i64} {
  func.func @body(%arg0: i32, %arg1: i32, %arg2: memref<10000x128xf32, #tpu.memory_space<hbm>>, %arg3: memref<640x4x2x125xi32, #tpu.memory_space<hbm>>, %arg4: memref<10240x128xf32, #tpu.memory_space<hbm>>, %arg5: memref<10240xf32, #tpu.memory_space<hbm>>, %arg6: memref<2x10240x128xf32, #tpu.memory_space<hbm>>, %arg7: memref<2x4x2x125xi32, #tpu.memory_space<vmem>>, %arg8: memref<2x125x128xf32, #tpu.memory_space<vmem>>, %arg9: memref<10240x128xf32, #tpu.memory_space<vmem_shared>>, %arg10: memref<!tpu.dma_semaphore, #tpu.memory_space<semaphore_mem>>, %arg11: memref<!tpu.dma_semaphore, #tpu.memory_space<semaphore_mem>>, %arg12: memref<!tpu.dma_semaphore, #tpu.memory_space<semaphore_mem>>, %arg13: memref<400xf32, #tpu.memory_space<vmem>>) attributes {dimension_semantics = [#tpu.dimension_semantics<core_parallel>, #tpu.dimension_semantics<subcore_parallel>], iteration_bounds = array<i64: 2, 16>, scalar_prefetch = 0 : i64, scratch_operands = 7 : i64, tpu.core_type = #tpu.core_type<sc_vector_subcore>, window_params = [{transform_indices = #map}, {transform_indices = #map1}, {transform_indices = #map}, {transform_indices = #map2}, {transform_indices = #map3}]} {
    %mul3A = arith.constant 2 : i32
    %mul3A_0 = arith.muli %arg1, %mul3A : i32
    %add3A = arith.addi %mul3A_0, %arg0 : i32
    %mul3A_1 = arith.constant 640 : i32
    %mul3A_2 = arith.muli %arg1, %mul3A_1 : i32
    "tpu.region"() ({
      %run_scoped3A_11 = tpu.sem_alloc : memref<!tpu.dma_semaphore, #tpu.memory_space<semaphore_mem>>
      %dma_start3A = arith.constant 0 : i32
      %dma_start3A_12 = tpu.memref_slice %arg9[%mul3A_2, %dma_start3A] : memref<10240x128xf32, #tpu.memory_space<vmem_shared>> -> memref<640x128xf32, #tpu.memory_space<vmem_shared>>
      %dma_start3A_13 = arith.constant 0 : i32
      %dma_start3A_14 = tpu.memref_slice %arg4[%mul3A_2, %dma_start3A_13] : memref<10240x128xf32, #tpu.memory_space<hbm>> -> memref<640x128xf32, #tpu.memory_space<hbm>>
      tpu.enqueue_dma source(%dma_start3A_14 : memref<640x128xf32, #tpu.memory_space<hbm>>) target(%dma_start3A_12 : memref<640x128xf32, #tpu.memory_space<vmem_shared>>) target_semaphore(%run_scoped3A_11 : memref<!tpu.dma_semaphore, #tpu.memory_space<semaphore_mem>>)
      %dma_wait3A = arith.constant 0 : i32
      %dma_wait3A_15 = tpu.memref_slice %arg9[%mul3A_2, %dma_wait3A] : memref<10240x128xf32, #tpu.memory_space<vmem_shared>> -> memref<640x128xf32, #tpu.memory_space<vmem_shared>>
      %dma_wait3A_16 = arith.constant 0 : i32
      %dma_wait3A_17 = tpu.memref_slice %arg4[%mul3A_2, %dma_wait3A_16] : memref<10240x128xf32, #tpu.memory_space<hbm>> -> memref<640x128xf32, #tpu.memory_space<hbm>>
      tpu.wait_dma2 semaphore(%run_scoped3A_11 : memref<!tpu.dma_semaphore, #tpu.memory_space<semaphore_mem>>) src(%dma_wait3A_17 : memref<640x128xf32, #tpu.memory_space<hbm>>) dst(%dma_wait3A_15 : memref<640x128xf32, #tpu.memory_space<vmem_shared>>)
      tpu.yield
    }) : () -> ()
    %mul3A_3 = arith.constant 20 : i32
    %mul3A_4 = arith.muli %add3A, %mul3A_3 : i32
    %run_scoped3A = arith.constant 0 : i32
    "tpu.region"() ({
      %run_scoped3A_11 = tpu.sem_alloc : memref<!tpu.dma_semaphore, #tpu.memory_space<semaphore_mem>>
      %dma_start3A = arith.constant 0 : i32
      %dma_start3A_12 = arith.constant 0 : i32
      %dma_start3A_13 = arith.constant 0 : i32
      %dma_start3A_14 = tpu.memref_slice %arg7[%run_scoped3A, %dma_start3A, %dma_start3A_12, %dma_start3A_13] : memref<2x4x2x125xi32, #tpu.memory_space<vmem>> -> memref<1x4x2x125xi32, #tpu.memory_space<vmem>>
      %dma_start3A_15 = tpu.memref_squeeze %dma_start3A_14 : memref<1x4x2x125xi32, #tpu.memory_space<vmem>> -> memref<4x2x125xi32, #tpu.memory_space<vmem>>
      %dma_start3A_16 = arith.constant 0 : i32
      %dma_start3A_17 = arith.constant 0 : i32
      %dma_start3A_18 = arith.constant 0 : i32
      %dma_start3A_19 = tpu.memref_slice %arg3[%mul3A_4, %dma_start3A_16, %dma_start3A_17, %dma_start3A_18] : memref<640x4x2x125xi32, #tpu.memory_space<hbm>> -> memref<1x4x2x125xi32, #tpu.memory_space<hbm>>
      %dma_start3A_20 = tpu.memref_squeeze %dma_start3A_19 : memref<1x4x2x125xi32, #tpu.memory_space<hbm>> -> memref<4x2x125xi32, #tpu.memory_space<hbm>>
      %dma_start3A_21 = arith.constant 0 : i32
      %dma_start3A_22 = arith.constant 0 : i32
      %dma_start3A_23 = arith.constant 0 : i32
      %dma_start3A_24 = tpu.memref_slice %arg7[%run_scoped3A, %dma_start3A_21, %dma_start3A_22, %dma_start3A_23] : memref<2x4x2x125xi32, #tpu.memory_space<vmem>> -> memref<1x4x2x125xi32, #tpu.memory_space<vmem>>
      %dma_start3A_25 = tpu.memref_squeeze %dma_start3A_24 : memref<1x4x2x125xi32, #tpu.memory_space<vmem>> -> memref<4x2x125xi32, #tpu.memory_space<vmem>>
      %dma_start3A_26 = arith.constant 0 : i32
      %dma_start3A_27 = arith.constant 0 : i32
      %dma_start3A_28 = arith.constant 0 : i32
      %dma_start3A_29 = tpu.memref_slice %arg3[%mul3A_4, %dma_start3A_26, %dma_start3A_27, %dma_start3A_28] : memref<640x4x2x125xi32, #tpu.memory_space<hbm>> -> memref<1x4x2x125xi32, #tpu.memory_space<hbm>>
      %dma_start3A_30 = tpu.memref_squeeze %dma_start3A_29 : memref<1x4x2x125xi32, #tpu.memory_space<hbm>> -> memref<4x2x125xi32, #tpu.memory_space<hbm>>
      tpu.enqueue_dma source(%dma_start3A_30 : memref<4x2x125xi32, #tpu.memory_space<hbm>>) target(%dma_start3A_25 : memref<4x2x125xi32, #tpu.memory_space<vmem>>) target_semaphore(%run_scoped3A_11 : memref<!tpu.dma_semaphore, #tpu.memory_space<semaphore_mem>>)
      %dma_wait3A = arith.constant 0 : i32
      %dma_wait3A_31 = arith.constant 0 : i32
      %dma_wait3A_32 = arith.constant 0 : i32
      %dma_wait3A_33 = tpu.memref_slice %arg7[%run_scoped3A, %dma_wait3A, %dma_wait3A_31, %dma_wait3A_32] : memref<2x4x2x125xi32, #tpu.memory_space<vmem>> -> memref<1x4x2x125xi32, #tpu.memory_space<vmem>>
      %dma_wait3A_34 = tpu.memref_squeeze %dma_wait3A_33 : memref<1x4x2x125xi32, #tpu.memory_space<vmem>> -> memref<4x2x125xi32, #tpu.memory_space<vmem>>
      %dma_wait3A_35 = arith.constant 0 : i32
      %dma_wait3A_36 = arith.constant 0 : i32
      %dma_wait3A_37 = arith.constant 0 : i32
      %dma_wait3A_38 = tpu.memref_slice %arg3[%mul3A_4, %dma_wait3A_35, %dma_wait3A_36, %dma_wait3A_37] : memref<640x4x2x125xi32, #tpu.memory_space<hbm>> -> memref<1x4x2x125xi32, #tpu.memory_space<hbm>>
      %dma_wait3A_39 = tpu.memref_squeeze %dma_wait3A_38 : memref<1x4x2x125xi32, #tpu.memory_space<hbm>> -> memref<4x2x125xi32, #tpu.memory_space<hbm>>
      %dma_wait3A_40 = arith.constant 0 : i32
      %dma_wait3A_41 = arith.constant 0 : i32
      %dma_wait3A_42 = arith.constant 0 : i32
      %dma_wait3A_43 = tpu.memref_slice %arg7[%run_scoped3A, %dma_wait3A_40, %dma_wait3A_41, %dma_wait3A_42] : memref<2x4x2x125xi32, #tpu.memory_space<vmem>> -> memref<1x4x2x125xi32, #tpu.memory_space<vmem>>
      %dma_wait3A_44 = tpu.memref_squeeze %dma_wait3A_43 : memref<1x4x2x125xi32, #tpu.memory_space<vmem>> -> memref<4x2x125xi32, #tpu.memory_space<vmem>>
      %dma_wait3A_45 = arith.constant 0 : i32
      %dma_wait3A_46 = arith.constant 0 : i32
      %dma_wait3A_47 = arith.constant 0 : i32
      %dma_wait3A_48 = tpu.memref_slice %arg3[%mul3A_4, %dma_wait3A_45, %dma_wait3A_46, %dma_wait3A_47] : memref<640x4x2x125xi32, #tpu.memory_space<hbm>> -> memref<1x4x2x125xi32, #tpu.memory_space<hbm>>
      %dma_wait3A_49 = tpu.memref_squeeze %dma_wait3A_48 : memref<1x4x2x125xi32, #tpu.memory_space<hbm>> -> memref<4x2x125xi32, #tpu.memory_space<hbm>>
      tpu.wait_dma2 semaphore(%run_scoped3A_11 : memref<!tpu.dma_semaphore, #tpu.memory_space<semaphore_mem>>) src(%dma_wait3A_49 : memref<4x2x125xi32, #tpu.memory_space<hbm>>) dst(%dma_wait3A_44 : memref<4x2x125xi32, #tpu.memory_space<vmem>>)
      tpu.yield
    }) : () -> ()
    %barrier3A = arith.constant 0 : index
    tpu.barrier barrier_id(%barrier3A)
    %scan3A = arith.constant 0 : i32
    %scan3A_5 = arith.constant 0 : i32
    %scan3A_6 = arith.constant 20 : i32
    %scan3A_7 = arith.addi %scan3A_5, %scan3A_6 : i32
    %scan3A_8 = arith.constant 1 : i32
    scf.for %scan3A_11 = %scan3A_5 to %scan3A_7 step %scan3A_8  : i32 {
      %rem3A = arith.constant 2 : i32
      %rem3A_12 = arith.remsi %scan3A_11, %rem3A : i32
      %lt3A = arith.constant 19 : i32
      %lt3A_13 = arith.cmpi slt, %scan3A_11, %lt3A : i32
      %convert_element_type3A = arith.extui %lt3A_13 : i1 to i32
      %cond3A = arith.constant 0 : i32
      %cond3A_14 = arith.cmpi ne, %convert_element_type3A, %cond3A : i32
      scf.if %cond3A_14 {
        %add3A_63 = arith.addi %mul3A_4, %scan3A_11 : i32
        %add3A_64 = arith.constant 1 : i32
        %add3A_65 = arith.addi %add3A_63, %add3A_64 : i32
        %sub3A = arith.constant 1 : i32
        %sub3A_66 = arith.subi %sub3A, %rem3A_12 : i32
        %dma_start3A_67 = arith.constant 0 : i32
        %dma_start3A_68 = arith.constant 0 : i32
        %dma_start3A_69 = arith.constant 0 : i32
        %dma_start3A_70 = tpu.memref_slice %arg7[%sub3A_66, %dma_start3A_67, %dma_start3A_68, %dma_start3A_69] : memref<2x4x2x125xi32, #tpu.memory_space<vmem>> -> memref<1x4x2x125xi32, #tpu.memory_space<vmem>>
        %dma_start3A_71 = tpu.memref_squeeze %dma_start3A_70 : memref<1x4x2x125xi32, #tpu.memory_space<vmem>> -> memref<4x2x125xi32, #tpu.memory_space<vmem>>
        %dma_start3A_72 = arith.constant 0 : i32
        %dma_start3A_73 = arith.constant 0 : i32
        %dma_start3A_74 = arith.constant 0 : i32
        %dma_start3A_75 = tpu.memref_slice %arg3[%add3A_65, %dma_start3A_72, %dma_start3A_73, %dma_start3A_74] : memref<640x4x2x125xi32, #tpu.memory_space<hbm>> -> memref<1x4x2x125xi32, #tpu.memory_space<hbm>>
        %dma_start3A_76 = tpu.memref_squeeze %dma_start3A_75 : memref<1x4x2x125xi32, #tpu.memory_space<hbm>> -> memref<4x2x125xi32, #tpu.memory_space<hbm>>
        %dma_start3A_77 = arith.constant 0 : i32
        %dma_start3A_78 = arith.constant 0 : i32
        %dma_start3A_79 = arith.constant 0 : i32
        %dma_start3A_80 = tpu.memref_slice %arg7[%sub3A_66, %dma_start3A_77, %dma_start3A_78, %dma_start3A_79] : memref<2x4x2x125xi32, #tpu.memory_space<vmem>> -> memref<1x4x2x125xi32, #tpu.memory_space<vmem>>
        %dma_start3A_81 = tpu.memref_squeeze %dma_start3A_80 : memref<1x4x2x125xi32, #tpu.memory_space<vmem>> -> memref<4x2x125xi32, #tpu.memory_space<vmem>>
        %dma_start3A_82 = arith.constant 0 : i32
        %dma_start3A_83 = arith.constant 0 : i32
        %dma_start3A_84 = arith.constant 0 : i32
        %dma_start3A_85 = tpu.memref_slice %arg3[%add3A_65, %dma_start3A_82, %dma_start3A_83, %dma_start3A_84] : memref<640x4x2x125xi32, #tpu.memory_space<hbm>> -> memref<1x4x2x125xi32, #tpu.memory_space<hbm>>
        %dma_start3A_86 = tpu.memref_squeeze %dma_start3A_85 : memref<1x4x2x125xi32, #tpu.memory_space<hbm>> -> memref<4x2x125xi32, #tpu.memory_space<hbm>>
        tpu.enqueue_dma source(%dma_start3A_86 : memref<4x2x125xi32, #tpu.memory_space<hbm>>) target(%dma_start3A_81 : memref<4x2x125xi32, #tpu.memory_space<vmem>>) target_semaphore(%arg11 : memref<!tpu.dma_semaphore, #tpu.memory_space<semaphore_mem>>)
      } else {
      }
      %dma_start3A = arith.constant 0 : i32
      %dma_start3A_15 = arith.constant 0 : i32
      %dma_start3A_16 = arith.constant 0 : i32
      %dma_start3A_17 = arith.constant 0 : i32
      %dma_start3A_18 = arith.constant 0 : i32
      %dma_start3A_19 = tpu.memref_slice %arg8[%dma_start3A_16, %dma_start3A_17, %dma_start3A_18] : memref<2x125x128xf32, #tpu.memory_space<vmem>> -> memref<1x125x128xf32, #tpu.memory_space<vmem>>
      %dma_start3A_20 = tpu.memref_squeeze %dma_start3A_19 : memref<1x125x128xf32, #tpu.memory_space<vmem>> -> memref<125x128xf32, #tpu.memory_space<vmem>>
      %dma_start3A_21 = arith.constant 0 : i32
      %dma_start3A_22 = tpu.memref_slice %arg7[%rem3A_12, %dma_start3A, %dma_start3A_15, %dma_start3A_21] : memref<2x4x2x125xi32, #tpu.memory_space<vmem>> -> memref<1x1x1x125xi32, #tpu.memory_space<vmem>>
      %dma_start3A_23 = tpu.memref_squeeze %dma_start3A_22 : memref<1x1x1x125xi32, #tpu.memory_space<vmem>> -> memref<125xi32, #tpu.memory_space<vmem>>
      %dma_start3A_24 = arith.constant 0 : i32
      %dma_start3A_25 = arith.constant 0 : i32
      %dma_start3A_26 = tpu.memref_slice %arg2[%dma_start3A_24, %dma_start3A_25] : memref<10000x128xf32, #tpu.memory_space<hbm>> -> memref<10000x128xf32, #tpu.memory_space<hbm>>
      tpu.enqueue_indirect_dma source(%dma_start3A_26 : memref<10000x128xf32, #tpu.memory_space<hbm>>) target(%dma_start3A_20 : memref<125x128xf32, #tpu.memory_space<vmem>>) offsets(%dma_start3A_23 : memref<125xi32, #tpu.memory_space<vmem>>) semaphore(%arg10 : memref<!tpu.dma_semaphore, #tpu.memory_space<semaphore_mem>>)
      %scan3A_27 = arith.constant 0 : i32
      %scan3A_28 = arith.constant 0 : i32
      %scan3A_29 = arith.constant 4 : i32
      %scan3A_30 = arith.addi %scan3A_28, %scan3A_29 : i32
      %scan3A_31 = arith.constant 1 : i32
      scf.for %scan3A_63 = %scan3A_28 to %scan3A_30 step %scan3A_31  : i32 {
        %rem3A_64 = arith.constant 2 : i32
        %rem3A_65 = arith.remsi %scan3A_63, %rem3A_64 : i32
        %lt3A_66 = arith.constant 3 : i32
        %lt3A_67 = arith.cmpi slt, %scan3A_63, %lt3A_66 : i32
        %convert_element_type3A_68 = arith.extui %lt3A_67 : i1 to i32
        %cond3A_69 = arith.constant 0 : i32
        %cond3A_70 = arith.cmpi ne, %convert_element_type3A_68, %cond3A_69 : i32
        scf.if %cond3A_70 {
          %ge3A = arith.constant 1 : i32
          %ge3A_93 = arith.cmpi sge, %scan3A_63, %ge3A : i32
          %convert_element_type3A_94 = arith.extui %ge3A_93 : i1 to i32
          %cond3A_95 = arith.constant 0 : i32
          %cond3A_96 = arith.cmpi ne, %convert_element_type3A_94, %cond3A_95 : i32
          scf.if %cond3A_96 {
            %sub3A_111 = arith.constant 1 : i32
            %sub3A_112 = arith.subi %sub3A_111, %rem3A_65 : i32
            %sub3A_113 = arith.constant 1 : i32
            %sub3A_114 = arith.subi %scan3A_63, %sub3A_113 : i32
            %dma_wait3A_115 = arith.constant 1 : i32
            %dma_wait3A_116 = arith.constant 0 : i32
            %dma_wait3A_117 = arith.constant 0 : i32
            %dma_wait3A_118 = tpu.memref_slice %arg8[%sub3A_112, %dma_wait3A_116, %dma_wait3A_117] : memref<2x125x128xf32, #tpu.memory_space<vmem>> -> memref<1x125x128xf32, #tpu.memory_space<vmem>>
            %dma_wait3A_119 = tpu.memref_squeeze %dma_wait3A_118 : memref<1x125x128xf32, #tpu.memory_space<vmem>> -> memref<125x128xf32, #tpu.memory_space<vmem>>
            %dma_wait3A_120 = arith.constant 0 : i32
            %dma_wait3A_121 = tpu.memref_slice %arg7[%rem3A_12, %sub3A_114, %dma_wait3A_115, %dma_wait3A_120] : memref<2x4x2x125xi32, #tpu.memory_space<vmem>> -> memref<1x1x1x125xi32, #tpu.memory_space<vmem>>
            %dma_wait3A_122 = tpu.memref_squeeze %dma_wait3A_121 : memref<1x1x1x125xi32, #tpu.memory_space<vmem>> -> memref<125xi32, #tpu.memory_space<vmem>>
            %dma_wait3A_123 = arith.constant 0 : i32
            %dma_wait3A_124 = arith.constant 0 : i32
            %dma_wait3A_125 = tpu.memref_slice %arg9[%dma_wait3A_123, %dma_wait3A_124] : memref<10240x128xf32, #tpu.memory_space<vmem_shared>> -> memref<10240x128xf32, #tpu.memory_space<vmem_shared>>
            tpu.wait_indirect_dma semaphore(%arg12 : memref<!tpu.dma_semaphore, #tpu.memory_space<semaphore_mem>>) src(%dma_wait3A_119 : memref<125x128xf32, #tpu.memory_space<vmem>>) dst(%dma_wait3A_125 : memref<10240x128xf32, #tpu.memory_space<vmem_shared>>)
          } else {
          }
          %add3A_97 = arith.constant 1 : i32
          %add3A_98 = arith.addi %scan3A_63, %add3A_97 : i32
          %sub3A = arith.constant 1 : i32
          %sub3A_99 = arith.subi %sub3A, %rem3A_65 : i32
          %dma_start3A_100 = arith.constant 0 : i32
          %dma_start3A_101 = arith.constant 0 : i32
          %dma_start3A_102 = arith.constant 0 : i32
          %dma_start3A_103 = tpu.memref_slice %arg8[%sub3A_99, %dma_start3A_101, %dma_start3A_102] : memref<2x125x128xf32, #tpu.memory_space<vmem>> -> memref<1x125x128xf32, #tpu.memory_space<vmem>>
          %dma_start3A_104 = tpu.memref_squeeze %dma_start3A_103 : memref<1x125x128xf32, #tpu.memory_space<vmem>> -> memref<125x128xf32, #tpu.memory_space<vmem>>
          %dma_start3A_105 = arith.constant 0 : i32
          %dma_start3A_106 = tpu.memref_slice %arg7[%rem3A_12, %add3A_98, %dma_start3A_100, %dma_start3A_105] : memref<2x4x2x125xi32, #tpu.memory_space<vmem>> -> memref<1x1x1x125xi32, #tpu.memory_space<vmem>>
          %dma_start3A_107 = tpu.memref_squeeze %dma_start3A_106 : memref<1x1x1x125xi32, #tpu.memory_space<vmem>> -> memref<125xi32, #tpu.memory_space<vmem>>
          %dma_start3A_108 = arith.constant 0 : i32
          %dma_start3A_109 = arith.constant 0 : i32
          %dma_start3A_110 = tpu.memref_slice %arg2[%dma_start3A_108, %dma_start3A_109] : memref<10000x128xf32, #tpu.memory_space<hbm>> -> memref<10000x128xf32, #tpu.memory_space<hbm>>
          tpu.enqueue_indirect_dma source(%dma_start3A_110 : memref<10000x128xf32, #tpu.memory_space<hbm>>) target(%dma_start3A_104 : memref<125x128xf32, #tpu.memory_space<vmem>>) offsets(%dma_start3A_107 : memref<125xi32, #tpu.memory_space<vmem>>) semaphore(%arg10 : memref<!tpu.dma_semaphore, #tpu.memory_space<semaphore_mem>>)
        } else {
        }
        %dma_wait3A_71 = arith.constant 0 : i32
        %dma_wait3A_72 = arith.constant 0 : i32
        %dma_wait3A_73 = arith.constant 0 : i32
        %dma_wait3A_74 = tpu.memref_slice %arg8[%rem3A_65, %dma_wait3A_72, %dma_wait3A_73] : memref<2x125x128xf32, #tpu.memory_space<vmem>> -> memref<1x125x128xf32, #tpu.memory_space<vmem>>
        %dma_wait3A_75 = tpu.memref_squeeze %dma_wait3A_74 : memref<1x125x128xf32, #tpu.memory_space<vmem>> -> memref<125x128xf32, #tpu.memory_space<vmem>>
        %dma_wait3A_76 = arith.constant 0 : i32
        %dma_wait3A_77 = tpu.memref_slice %arg7[%rem3A_12, %scan3A_63, %dma_wait3A_71, %dma_wait3A_76] : memref<2x4x2x125xi32, #tpu.memory_space<vmem>> -> memref<1x1x1x125xi32, #tpu.memory_space<vmem>>
        %dma_wait3A_78 = tpu.memref_squeeze %dma_wait3A_77 : memref<1x1x1x125xi32, #tpu.memory_space<vmem>> -> memref<125xi32, #tpu.memory_space<vmem>>
        %dma_wait3A_79 = arith.constant 0 : i32
        %dma_wait3A_80 = arith.constant 0 : i32
        %dma_wait3A_81 = tpu.memref_slice %arg2[%dma_wait3A_79, %dma_wait3A_80] : memref<10000x128xf32, #tpu.memory_space<hbm>> -> memref<10000x128xf32, #tpu.memory_space<hbm>>
        tpu.wait_indirect_dma semaphore(%arg10 : memref<!tpu.dma_semaphore, #tpu.memory_space<semaphore_mem>>) src(%dma_wait3A_81 : memref<10000x128xf32, #tpu.memory_space<hbm>>) dst(%dma_wait3A_75 : memref<125x128xf32, #tpu.memory_space<vmem>>)
        %dma_start3A_82 = arith.constant 1 : i32
        %dma_start3A_83 = arith.constant 0 : i32
        %dma_start3A_84 = arith.constant 0 : i32
        %dma_start3A_85 = tpu.memref_slice %arg8[%rem3A_65, %dma_start3A_83, %dma_start3A_84] : memref<2x125x128xf32, #tpu.memory_space<vmem>> -> memref<1x125x128xf32, #tpu.memory_space<vmem>>
        %dma_start3A_86 = tpu.memref_squeeze %dma_start3A_85 : memref<1x125x128xf32, #tpu.memory_space<vmem>> -> memref<125x128xf32, #tpu.memory_space<vmem>>
        %dma_start3A_87 = arith.constant 0 : i32
        %dma_start3A_88 = tpu.memref_slice %arg7[%rem3A_12, %scan3A_63, %dma_start3A_82, %dma_start3A_87] : memref<2x4x2x125xi32, #tpu.memory_space<vmem>> -> memref<1x1x1x125xi32, #tpu.memory_space<vmem>>
        %dma_start3A_89 = tpu.memref_squeeze %dma_start3A_88 : memref<1x1x1x125xi32, #tpu.memory_space<vmem>> -> memref<125xi32, #tpu.memory_space<vmem>>
        %dma_start3A_90 = arith.constant 0 : i32
        %dma_start3A_91 = arith.constant 0 : i32
        %dma_start3A_92 = tpu.memref_slice %arg9[%dma_start3A_90, %dma_start3A_91] : memref<10240x128xf32, #tpu.memory_space<vmem_shared>> -> memref<10240x128xf32, #tpu.memory_space<vmem_shared>>
        tpu.enqueue_indirect_dma source(%dma_start3A_86 : memref<125x128xf32, #tpu.memory_space<vmem>>) target(%dma_start3A_92 : memref<10240x128xf32, #tpu.memory_space<vmem_shared>>) offsets(%dma_start3A_89 : memref<125xi32, #tpu.memory_space<vmem>>) semaphore(%arg12 : memref<!tpu.dma_semaphore, #tpu.memory_space<semaphore_mem>>) {add = true}
      }
      %scan3A_32 = arith.constant 4 : i32
      %dma_wait3A = arith.constant 0 : i32
      %dma_wait3A_33 = arith.constant 0 : i32
      %dma_wait3A_34 = arith.constant 1 : i32
      %dma_wait3A_35 = arith.constant 0 : i32
      %dma_wait3A_36 = arith.constant 0 : i32
      %dma_wait3A_37 = tpu.memref_slice %arg8[%dma_wait3A, %dma_wait3A_35, %dma_wait3A_36] : memref<2x125x128xf32, #tpu.memory_space<vmem>> -> memref<1x125x128xf32, #tpu.memory_space<vmem>>
      %dma_wait3A_38 = tpu.memref_squeeze %dma_wait3A_37 : memref<1x125x128xf32, #tpu.memory_space<vmem>> -> memref<125x128xf32, #tpu.memory_space<vmem>>
      %dma_wait3A_39 = arith.constant 0 : i32
      %dma_wait3A_40 = tpu.memref_slice %arg7[%rem3A_12, %dma_wait3A_33, %dma_wait3A_34, %dma_wait3A_39] : memref<2x4x2x125xi32, #tpu.memory_space<vmem>> -> memref<1x1x1x125xi32, #tpu.memory_space<vmem>>
      %dma_wait3A_41 = tpu.memref_squeeze %dma_wait3A_40 : memref<1x1x1x125xi32, #tpu.memory_space<vmem>> -> memref<125xi32, #tpu.memory_space<vmem>>
      %dma_wait3A_42 = arith.constant 0 : i32
      %dma_wait3A_43 = arith.constant 0 : i32
      %dma_wait3A_44 = tpu.memref_slice %arg9[%dma_wait3A_42, %dma_wait3A_43] : memref<10240x128xf32, #tpu.memory_space<vmem_shared>> -> memref<10240x128xf32, #tpu.memory_space<vmem_shared>>
      tpu.wait_indirect_dma semaphore(%arg12 : memref<!tpu.dma_semaphore, #tpu.memory_space<semaphore_mem>>) src(%dma_wait3A_38 : memref<125x128xf32, #tpu.memory_space<vmem>>) dst(%dma_wait3A_44 : memref<10240x128xf32, #tpu.memory_space<vmem_shared>>)
      %dma_wait3A_45 = arith.constant 0 : i32
      %dma_wait3A_46 = arith.constant 0 : i32
      %dma_wait3A_47 = arith.constant 1 : i32
      %dma_wait3A_48 = arith.constant 0 : i32
      %dma_wait3A_49 = arith.constant 0 : i32
      %dma_wait3A_50 = tpu.memref_slice %arg8[%dma_wait3A_45, %dma_wait3A_48, %dma_wait3A_49] : memref<2x125x128xf32, #tpu.memory_space<vmem>> -> memref<1x125x128xf32, #tpu.memory_space<vmem>>
      %dma_wait3A_51 = tpu.memref_squeeze %dma_wait3A_50 : memref<1x125x128xf32, #tpu.memory_space<vmem>> -> memref<125x128xf32, #tpu.memory_space<vmem>>
      %dma_wait3A_52 = arith.constant 0 : i32
      %dma_wait3A_53 = tpu.memref_slice %arg7[%rem3A_12, %dma_wait3A_46, %dma_wait3A_47, %dma_wait3A_52] : memref<2x4x2x125xi32, #tpu.memory_space<vmem>> -> memref<1x1x1x125xi32, #tpu.memory_space<vmem>>
      %dma_wait3A_54 = tpu.memref_squeeze %dma_wait3A_53 : memref<1x1x1x125xi32, #tpu.memory_space<vmem>> -> memref<125xi32, #tpu.memory_space<vmem>>
      %dma_wait3A_55 = arith.constant 0 : i32
      %dma_wait3A_56 = arith.constant 0 : i32
      %dma_wait3A_57 = tpu.memref_slice %arg9[%dma_wait3A_55, %dma_wait3A_56] : memref<10240x128xf32, #tpu.memory_space<vmem_shared>> -> memref<10240x128xf32, #tpu.memory_space<vmem_shared>>
      tpu.wait_indirect_dma semaphore(%arg12 : memref<!tpu.dma_semaphore, #tpu.memory_space<semaphore_mem>>) src(%dma_wait3A_51 : memref<125x128xf32, #tpu.memory_space<vmem>>) dst(%dma_wait3A_57 : memref<10240x128xf32, #tpu.memory_space<vmem_shared>>)
      %lt3A_58 = arith.constant 19 : i32
      %lt3A_59 = arith.cmpi slt, %scan3A_11, %lt3A_58 : i32
      %convert_element_type3A_60 = arith.extui %lt3A_59 : i1 to i32
      %cond3A_61 = arith.constant 0 : i32
      %cond3A_62 = arith.cmpi ne, %convert_element_type3A_60, %cond3A_61 : i32
      scf.if %cond3A_62 {
        %add3A_63 = arith.addi %mul3A_4, %scan3A_11 : i32
        %add3A_64 = arith.constant 1 : i32
        %add3A_65 = arith.addi %add3A_63, %add3A_64 : i32
        %sub3A = arith.constant 1 : i32
        %sub3A_66 = arith.subi %sub3A, %rem3A_12 : i32
        %dma_wait3A_67 = arith.constant 0 : i32
        %dma_wait3A_68 = arith.constant 0 : i32
        %dma_wait3A_69 = arith.constant 0 : i32
        %dma_wait3A_70 = tpu.memref_slice %arg7[%sub3A_66, %dma_wait3A_67, %dma_wait3A_68, %dma_wait3A_69] : memref<2x4x2x125xi32, #tpu.memory_space<vmem>> -> memref<1x4x2x125xi32, #tpu.memory_space<vmem>>
        %dma_wait3A_71 = tpu.memref_squeeze %dma_wait3A_70 : memref<1x4x2x125xi32, #tpu.memory_space<vmem>> -> memref<4x2x125xi32, #tpu.memory_space<vmem>>
        %dma_wait3A_72 = arith.constant 0 : i32
        %dma_wait3A_73 = arith.constant 0 : i32
        %dma_wait3A_74 = arith.constant 0 : i32
        %dma_wait3A_75 = tpu.memref_slice %arg3[%add3A_65, %dma_wait3A_72, %dma_wait3A_73, %dma_wait3A_74] : memref<640x4x2x125xi32, #tpu.memory_space<hbm>> -> memref<1x4x2x125xi32, #tpu.memory_space<hbm>>
        %dma_wait3A_76 = tpu.memref_squeeze %dma_wait3A_75 : memref<1x4x2x125xi32, #tpu.memory_space<hbm>> -> memref<4x2x125xi32, #tpu.memory_space<hbm>>
        %dma_wait3A_77 = arith.constant 0 : i32
        %dma_wait3A_78 = arith.constant 0 : i32
        %dma_wait3A_79 = arith.constant 0 : i32
        %dma_wait3A_80 = tpu.memref_slice %arg7[%sub3A_66, %dma_wait3A_77, %dma_wait3A_78, %dma_wait3A_79] : memref<2x4x2x125xi32, #tpu.memory_space<vmem>> -> memref<1x4x2x125xi32, #tpu.memory_space<vmem>>
        %dma_wait3A_81 = tpu.memref_squeeze %dma_wait3A_80 : memref<1x4x2x125xi32, #tpu.memory_space<vmem>> -> memref<4x2x125xi32, #tpu.memory_space<vmem>>
        %dma_wait3A_82 = arith.constant 0 : i32
        %dma_wait3A_83 = arith.constant 0 : i32
        %dma_wait3A_84 = arith.constant 0 : i32
        %dma_wait3A_85 = tpu.memref_slice %arg3[%add3A_65, %dma_wait3A_82, %dma_wait3A_83, %dma_wait3A_84] : memref<640x4x2x125xi32, #tpu.memory_space<hbm>> -> memref<1x4x2x125xi32, #tpu.memory_space<hbm>>
        %dma_wait3A_86 = tpu.memref_squeeze %dma_wait3A_85 : memref<1x4x2x125xi32, #tpu.memory_space<hbm>> -> memref<4x2x125xi32, #tpu.memory_space<hbm>>
        tpu.wait_dma2 semaphore(%arg11 : memref<!tpu.dma_semaphore, #tpu.memory_space<semaphore_mem>>) src(%dma_wait3A_86 : memref<4x2x125xi32, #tpu.memory_space<hbm>>) dst(%dma_wait3A_81 : memref<4x2x125xi32, #tpu.memory_space<vmem>>)
      } else {
      }
    }
    %scan3A_9 = arith.constant 20 : i32
    %barrier3A_10 = arith.constant 0 : index
    tpu.barrier barrier_id(%barrier3A_10)
    "tpu.region"() ({
      %run_scoped3A_11 = tpu.sem_alloc : memref<!tpu.dma_semaphore, #tpu.memory_space<semaphore_mem>>
      %dma_start3A = arith.constant 0 : i32
      %dma_start3A_12 = tpu.memref_slice %arg6[%arg0, %mul3A_2, %dma_start3A] : memref<2x10240x128xf32, #tpu.memory_space<hbm>> -> memref<1x640x128xf32, #tpu.memory_space<hbm>>
      %dma_start3A_13 = tpu.memref_squeeze %dma_start3A_12 : memref<1x640x128xf32, #tpu.memory_space<hbm>> -> memref<640x128xf32, #tpu.memory_space<hbm>>
      %dma_start3A_14 = arith.constant 0 : i32
      %dma_start3A_15 = tpu.memref_slice %arg9[%mul3A_2, %dma_start3A_14] : memref<10240x128xf32, #tpu.memory_space<vmem_shared>> -> memref<640x128xf32, #tpu.memory_space<vmem_shared>>
      tpu.enqueue_dma source(%dma_start3A_15 : memref<640x128xf32, #tpu.memory_space<vmem_shared>>) target(%dma_start3A_13 : memref<640x128xf32, #tpu.memory_space<hbm>>) target_semaphore(%run_scoped3A_11 : memref<!tpu.dma_semaphore, #tpu.memory_space<semaphore_mem>>)
      %dma_wait3A = arith.constant 0 : i32
      %dma_wait3A_16 = tpu.memref_slice %arg6[%arg0, %mul3A_2, %dma_wait3A] : memref<2x10240x128xf32, #tpu.memory_space<hbm>> -> memref<1x640x128xf32, #tpu.memory_space<hbm>>
      %dma_wait3A_17 = tpu.memref_squeeze %dma_wait3A_16 : memref<1x640x128xf32, #tpu.memory_space<hbm>> -> memref<640x128xf32, #tpu.memory_space<hbm>>
      %dma_wait3A_18 = arith.constant 0 : i32
      %dma_wait3A_19 = tpu.memref_slice %arg9[%mul3A_2, %dma_wait3A_18] : memref<10240x128xf32, #tpu.memory_space<vmem_shared>> -> memref<640x128xf32, #tpu.memory_space<vmem_shared>>
      tpu.wait_dma2 semaphore(%run_scoped3A_11 : memref<!tpu.dma_semaphore, #tpu.memory_space<semaphore_mem>>) src(%dma_wait3A_19 : memref<640x128xf32, #tpu.memory_space<vmem_shared>>) dst(%dma_wait3A_17 : memref<640x128xf32, #tpu.memory_space<hbm>>)
      tpu.yield
    }) : () -> ()
    return
  }
}

#map = affine_map<(d0, d1) -> (0, 0)>
#map1 = affine_map<(d0, d1) -> (0, 0, 0, 0)>
#map2 = affine_map<(d0, d1) -> (0)>
#map3 = affine_map<(d0, d1) -> (0, 0, 0)>
module attributes {stable_mosaic.version = 14 : i64} {
  func.func @body(%arg0: i32, %arg1: i32, %arg2: memref<10000x128xf32, #tpu.memory_space<hbm>>, %arg3: memref<640x4x2x125xi32, #tpu.memory_space<hbm>>, %arg4: memref<10240x128xf32, #tpu.memory_space<hbm>>, %arg5: memref<10240xf32, #tpu.memory_space<hbm>>, %arg6: memref<2x10240x128xf32, #tpu.memory_space<hbm>>, %arg7: memref<2x1x10240xf32, #tpu.memory_space<hbm>>, %arg8: memref<2x4x2x125xi32, #tpu.memory_space<vmem>>, %arg9: memref<2x125x128xf32, #tpu.memory_space<vmem>>, %arg10: memref<10240x128xf32, #tpu.memory_space<vmem_shared>>, %arg11: memref<!tpu.dma_semaphore, #tpu.memory_space<semaphore_mem>>, %arg12: memref<!tpu.dma_semaphore, #tpu.memory_space<semaphore_mem>>, %arg13: memref<!tpu.dma_semaphore, #tpu.memory_space<semaphore_mem>>, %arg14: memref<400xf32, #tpu.memory_space<vmem>>, %arg15: memref<128xf32, #tpu.memory_space<vmem>>, %arg16: memref<10240xf32, #tpu.memory_space<vmem_shared>>, %arg17: memref<!tpu.dma_semaphore, #tpu.memory_space<semaphore_mem>>) attributes {dimension_semantics = [#tpu.dimension_semantics<core_parallel>, #tpu.dimension_semantics<subcore_parallel>], iteration_bounds = array<i64: 2, 16>, scalar_prefetch = 0 : i64, scratch_operands = 10 : i64, tpu.core_type = #tpu.core_type<sc_vector_subcore>, window_params = [{transform_indices = #map}, {transform_indices = #map1}, {transform_indices = #map}, {transform_indices = #map2}, {transform_indices = #map3}, {transform_indices = #map3}]} {
    %mul3A = arith.constant 2 : i32
    %mul3A_0 = arith.muli %arg1, %mul3A : i32
    %add3A = arith.addi %mul3A_0, %arg0 : i32
    %mul3A_1 = arith.constant 640 : i32
    %mul3A_2 = arith.muli %arg1, %mul3A_1 : i32
    "tpu.region"() ({
      %run_scoped3A_66 = tpu.sem_alloc : memref<!tpu.dma_semaphore, #tpu.memory_space<semaphore_mem>>
      %dma_start3A = arith.constant 0 : i32
      %dma_start3A_67 = tpu.memref_slice %arg10[%mul3A_2, %dma_start3A] : memref<10240x128xf32, #tpu.memory_space<vmem_shared>> -> memref<640x128xf32, #tpu.memory_space<vmem_shared>>
      %dma_start3A_68 = arith.constant 0 : i32
      %dma_start3A_69 = tpu.memref_slice %arg4[%mul3A_2, %dma_start3A_68] : memref<10240x128xf32, #tpu.memory_space<hbm>> -> memref<640x128xf32, #tpu.memory_space<hbm>>
      tpu.enqueue_dma source(%dma_start3A_69 : memref<640x128xf32, #tpu.memory_space<hbm>>) target(%dma_start3A_67 : memref<640x128xf32, #tpu.memory_space<vmem_shared>>) target_semaphore(%run_scoped3A_66 : memref<!tpu.dma_semaphore, #tpu.memory_space<semaphore_mem>>)
      %dma_wait3A = arith.constant 0 : i32
      %dma_wait3A_70 = tpu.memref_slice %arg10[%mul3A_2, %dma_wait3A] : memref<10240x128xf32, #tpu.memory_space<vmem_shared>> -> memref<640x128xf32, #tpu.memory_space<vmem_shared>>
      %dma_wait3A_71 = arith.constant 0 : i32
      %dma_wait3A_72 = tpu.memref_slice %arg4[%mul3A_2, %dma_wait3A_71] : memref<10240x128xf32, #tpu.memory_space<hbm>> -> memref<640x128xf32, #tpu.memory_space<hbm>>
      tpu.wait_dma2 semaphore(%run_scoped3A_66 : memref<!tpu.dma_semaphore, #tpu.memory_space<semaphore_mem>>) src(%dma_wait3A_72 : memref<640x128xf32, #tpu.memory_space<hbm>>) dst(%dma_wait3A_70 : memref<640x128xf32, #tpu.memory_space<vmem_shared>>)
      tpu.yield
    }) : () -> ()
    %mul3A_3 = arith.constant 640 : i32
    %mul3A_4 = arith.muli %arg1, %mul3A_3 : i32
    "tpu.region"() ({
      %run_scoped3A_66 = tpu.sem_alloc : memref<!tpu.dma_semaphore, #tpu.memory_space<semaphore_mem>>
      %dma_start3A = tpu.memref_slice %arg16[%mul3A_4] : memref<10240xf32, #tpu.memory_space<vmem_shared>> -> memref<640xf32, #tpu.memory_space<vmem_shared>>
      %dma_start3A_67 = tpu.memref_slice %arg5[%mul3A_4] : memref<10240xf32, #tpu.memory_space<hbm>> -> memref<640xf32, #tpu.memory_space<hbm>>
      tpu.enqueue_dma source(%dma_start3A_67 : memref<640xf32, #tpu.memory_space<hbm>>) target(%dma_start3A : memref<640xf32, #tpu.memory_space<vmem_shared>>) target_semaphore(%run_scoped3A_66 : memref<!tpu.dma_semaphore, #tpu.memory_space<semaphore_mem>>)
      %dma_wait3A = tpu.memref_slice %arg16[%mul3A_4] : memref<10240xf32, #tpu.memory_space<vmem_shared>> -> memref<640xf32, #tpu.memory_space<vmem_shared>>
      %dma_wait3A_68 = tpu.memref_slice %arg5[%mul3A_4] : memref<10240xf32, #tpu.memory_space<hbm>> -> memref<640xf32, #tpu.memory_space<hbm>>
      tpu.wait_dma2 semaphore(%run_scoped3A_66 : memref<!tpu.dma_semaphore, #tpu.memory_space<semaphore_mem>>) src(%dma_wait3A_68 : memref<640xf32, #tpu.memory_space<hbm>>) dst(%dma_wait3A : memref<640xf32, #tpu.memory_space<vmem_shared>>)
      tpu.yield
    }) : () -> ()
    %broadcast_in_dim3A = arith.constant 1.000000e+00 : f32
    %broadcast_in_dim3A_5 = vector.broadcast %broadcast_in_dim3A : f32 to vector<16xf32>
    %swap3A = arith.constant 0 : index
    %swap3A_6 = tpu.vector_load %arg15[%swap3A] {strides = array<i32>} : memref<128xf32, #tpu.memory_space<vmem>>, vector<16xf32>,
    %swap3A_7 = vector.shape_cast %swap3A_6 : vector<16xf32> to vector<16xf32>
    %swap3A_8 = vector.shape_cast %broadcast_in_dim3A_5 : vector<16xf32> to vector<16xf32>
    tpu.vector_store %arg15[%swap3A], %swap3A_8 {strides = array<i32>} : memref<128xf32, #tpu.memory_space<vmem>>, vector<16xf32>,
    %broadcast_in_dim3A_9 = arith.constant 1.000000e+00 : f32
    %broadcast_in_dim3A_10 = vector.broadcast %broadcast_in_dim3A_9 : f32 to vector<16xf32>
    %swap3A_11 = arith.constant 16 : index
    %swap3A_12 = tpu.vector_load %arg15[%swap3A_11] {strides = array<i32>} : memref<128xf32, #tpu.memory_space<vmem>>, vector<16xf32>,
    %swap3A_13 = vector.shape_cast %swap3A_12 : vector<16xf32> to vector<16xf32>
    %swap3A_14 = vector.shape_cast %broadcast_in_dim3A_10 : vector<16xf32> to vector<16xf32>
    tpu.vector_store %arg15[%swap3A_11], %swap3A_14 {strides = array<i32>} : memref<128xf32, #tpu.memory_space<vmem>>, vector<16xf32>,
    %broadcast_in_dim3A_15 = arith.constant 1.000000e+00 : f32
    %broadcast_in_dim3A_16 = vector.broadcast %broadcast_in_dim3A_15 : f32 to vector<16xf32>
    %swap3A_17 = arith.constant 32 : index
    %swap3A_18 = tpu.vector_load %arg15[%swap3A_17] {strides = array<i32>} : memref<128xf32, #tpu.memory_space<vmem>>, vector<16xf32>,
    %swap3A_19 = vector.shape_cast %swap3A_18 : vector<16xf32> to vector<16xf32>
    %swap3A_20 = vector.shape_cast %broadcast_in_dim3A_16 : vector<16xf32> to vector<16xf32>
    tpu.vector_store %arg15[%swap3A_17], %swap3A_20 {strides = array<i32>} : memref<128xf32, #tpu.memory_space<vmem>>, vector<16xf32>,
    %broadcast_in_dim3A_21 = arith.constant 1.000000e+00 : f32
    %broadcast_in_dim3A_22 = vector.broadcast %broadcast_in_dim3A_21 : f32 to vector<16xf32>
    %swap3A_23 = arith.constant 48 : index
    %swap3A_24 = tpu.vector_load %arg15[%swap3A_23] {strides = array<i32>} : memref<128xf32, #tpu.memory_space<vmem>>, vector<16xf32>,
    %swap3A_25 = vector.shape_cast %swap3A_24 : vector<16xf32> to vector<16xf32>
    %swap3A_26 = vector.shape_cast %broadcast_in_dim3A_22 : vector<16xf32> to vector<16xf32>
    tpu.vector_store %arg15[%swap3A_23], %swap3A_26 {strides = array<i32>} : memref<128xf32, #tpu.memory_space<vmem>>, vector<16xf32>,
    %broadcast_in_dim3A_27 = arith.constant 1.000000e+00 : f32
    %broadcast_in_dim3A_28 = vector.broadcast %broadcast_in_dim3A_27 : f32 to vector<16xf32>
    %swap3A_29 = arith.constant 64 : index
    %swap3A_30 = tpu.vector_load %arg15[%swap3A_29] {strides = array<i32>} : memref<128xf32, #tpu.memory_space<vmem>>, vector<16xf32>,
    %swap3A_31 = vector.shape_cast %swap3A_30 : vector<16xf32> to vector<16xf32>
    %swap3A_32 = vector.shape_cast %broadcast_in_dim3A_28 : vector<16xf32> to vector<16xf32>
    tpu.vector_store %arg15[%swap3A_29], %swap3A_32 {strides = array<i32>} : memref<128xf32, #tpu.memory_space<vmem>>, vector<16xf32>,
    %broadcast_in_dim3A_33 = arith.constant 1.000000e+00 : f32
    %broadcast_in_dim3A_34 = vector.broadcast %broadcast_in_dim3A_33 : f32 to vector<16xf32>
    %swap3A_35 = arith.constant 80 : index
    %swap3A_36 = tpu.vector_load %arg15[%swap3A_35] {strides = array<i32>} : memref<128xf32, #tpu.memory_space<vmem>>, vector<16xf32>,
    %swap3A_37 = vector.shape_cast %swap3A_36 : vector<16xf32> to vector<16xf32>
    %swap3A_38 = vector.shape_cast %broadcast_in_dim3A_34 : vector<16xf32> to vector<16xf32>
    tpu.vector_store %arg15[%swap3A_35], %swap3A_38 {strides = array<i32>} : memref<128xf32, #tpu.memory_space<vmem>>, vector<16xf32>,
    %broadcast_in_dim3A_39 = arith.constant 1.000000e+00 : f32
    %broadcast_in_dim3A_40 = vector.broadcast %broadcast_in_dim3A_39 : f32 to vector<16xf32>
    %swap3A_41 = arith.constant 96 : index
    %swap3A_42 = tpu.vector_load %arg15[%swap3A_41] {strides = array<i32>} : memref<128xf32, #tpu.memory_space<vmem>>, vector<16xf32>,
    %swap3A_43 = vector.shape_cast %swap3A_42 : vector<16xf32> to vector<16xf32>
    %swap3A_44 = vector.shape_cast %broadcast_in_dim3A_40 : vector<16xf32> to vector<16xf32>
    tpu.vector_store %arg15[%swap3A_41], %swap3A_44 {strides = array<i32>} : memref<128xf32, #tpu.memory_space<vmem>>, vector<16xf32>,
    %broadcast_in_dim3A_45 = arith.constant 1.000000e+00 : f32
    %broadcast_in_dim3A_46 = vector.broadcast %broadcast_in_dim3A_45 : f32 to vector<16xf32>
    %swap3A_47 = arith.constant 112 : index
    %swap3A_48 = tpu.vector_load %arg15[%swap3A_47] {strides = array<i32>} : memref<128xf32, #tpu.memory_space<vmem>>, vector<16xf32>,
    %swap3A_49 = vector.shape_cast %swap3A_48 : vector<16xf32> to vector<16xf32>
    %swap3A_50 = vector.shape_cast %broadcast_in_dim3A_46 : vector<16xf32> to vector<16xf32>
    tpu.vector_store %arg15[%swap3A_47], %swap3A_50 {strides = array<i32>} : memref<128xf32, #tpu.memory_space<vmem>>, vector<16xf32>,
    %mul3A_51 = arith.constant 20 : i32
    %mul3A_52 = arith.muli %add3A, %mul3A_51 : i32
    %run_scoped3A = arith.constant 0 : i32
    "tpu.region"() ({
      %run_scoped3A_66 = tpu.sem_alloc : memref<!tpu.dma_semaphore, #tpu.memory_space<semaphore_mem>>
      %dma_start3A = arith.constant 0 : i32
      %dma_start3A_67 = arith.constant 0 : i32
      %dma_start3A_68 = arith.constant 0 : i32
      %dma_start3A_69 = tpu.memref_slice %arg8[%run_scoped3A, %dma_start3A, %dma_start3A_67, %dma_start3A_68] : memref<2x4x2x125xi32, #tpu.memory_space<vmem>> -> memref<1x4x2x125xi32, #tpu.memory_space<vmem>>
      %dma_start3A_70 = tpu.memref_squeeze %dma_start3A_69 : memref<1x4x2x125xi32, #tpu.memory_space<vmem>> -> memref<4x2x125xi32, #tpu.memory_space<vmem>>
      %dma_start3A_71 = arith.constant 0 : i32
      %dma_start3A_72 = arith.constant 0 : i32
      %dma_start3A_73 = arith.constant 0 : i32
      %dma_start3A_74 = tpu.memref_slice %arg3[%mul3A_52, %dma_start3A_71, %dma_start3A_72, %dma_start3A_73] : memref<640x4x2x125xi32, #tpu.memory_space<hbm>> -> memref<1x4x2x125xi32, #tpu.memory_space<hbm>>
      %dma_start3A_75 = tpu.memref_squeeze %dma_start3A_74 : memref<1x4x2x125xi32, #tpu.memory_space<hbm>> -> memref<4x2x125xi32, #tpu.memory_space<hbm>>
      %dma_start3A_76 = arith.constant 0 : i32
      %dma_start3A_77 = arith.constant 0 : i32
      %dma_start3A_78 = arith.constant 0 : i32
      %dma_start3A_79 = tpu.memref_slice %arg8[%run_scoped3A, %dma_start3A_76, %dma_start3A_77, %dma_start3A_78] : memref<2x4x2x125xi32, #tpu.memory_space<vmem>> -> memref<1x4x2x125xi32, #tpu.memory_space<vmem>>
      %dma_start3A_80 = tpu.memref_squeeze %dma_start3A_79 : memref<1x4x2x125xi32, #tpu.memory_space<vmem>> -> memref<4x2x125xi32, #tpu.memory_space<vmem>>
      %dma_start3A_81 = arith.constant 0 : i32
      %dma_start3A_82 = arith.constant 0 : i32
      %dma_start3A_83 = arith.constant 0 : i32
      %dma_start3A_84 = tpu.memref_slice %arg3[%mul3A_52, %dma_start3A_81, %dma_start3A_82, %dma_start3A_83] : memref<640x4x2x125xi32, #tpu.memory_space<hbm>> -> memref<1x4x2x125xi32, #tpu.memory_space<hbm>>
      %dma_start3A_85 = tpu.memref_squeeze %dma_start3A_84 : memref<1x4x2x125xi32, #tpu.memory_space<hbm>> -> memref<4x2x125xi32, #tpu.memory_space<hbm>>
      tpu.enqueue_dma source(%dma_start3A_85 : memref<4x2x125xi32, #tpu.memory_space<hbm>>) target(%dma_start3A_80 : memref<4x2x125xi32, #tpu.memory_space<vmem>>) target_semaphore(%run_scoped3A_66 : memref<!tpu.dma_semaphore, #tpu.memory_space<semaphore_mem>>)
      %dma_wait3A = arith.constant 0 : i32
      %dma_wait3A_86 = arith.constant 0 : i32
      %dma_wait3A_87 = arith.constant 0 : i32
      %dma_wait3A_88 = tpu.memref_slice %arg8[%run_scoped3A, %dma_wait3A, %dma_wait3A_86, %dma_wait3A_87] : memref<2x4x2x125xi32, #tpu.memory_space<vmem>> -> memref<1x4x2x125xi32, #tpu.memory_space<vmem>>
      %dma_wait3A_89 = tpu.memref_squeeze %dma_wait3A_88 : memref<1x4x2x125xi32, #tpu.memory_space<vmem>> -> memref<4x2x125xi32, #tpu.memory_space<vmem>>
      %dma_wait3A_90 = arith.constant 0 : i32
      %dma_wait3A_91 = arith.constant 0 : i32
      %dma_wait3A_92 = arith.constant 0 : i32
      %dma_wait3A_93 = tpu.memref_slice %arg3[%mul3A_52, %dma_wait3A_90, %dma_wait3A_91, %dma_wait3A_92] : memref<640x4x2x125xi32, #tpu.memory_space<hbm>> -> memref<1x4x2x125xi32, #tpu.memory_space<hbm>>
      %dma_wait3A_94 = tpu.memref_squeeze %dma_wait3A_93 : memref<1x4x2x125xi32, #tpu.memory_space<hbm>> -> memref<4x2x125xi32, #tpu.memory_space<hbm>>
      %dma_wait3A_95 = arith.constant 0 : i32
      %dma_wait3A_96 = arith.constant 0 : i32
      %dma_wait3A_97 = arith.constant 0 : i32
      %dma_wait3A_98 = tpu.memref_slice %arg8[%run_scoped3A, %dma_wait3A_95, %dma_wait3A_96, %dma_wait3A_97] : memref<2x4x2x125xi32, #tpu.memory_space<vmem>> -> memref<1x4x2x125xi32, #tpu.memory_space<vmem>>
      %dma_wait3A_99 = tpu.memref_squeeze %dma_wait3A_98 : memref<1x4x2x125xi32, #tpu.memory_space<vmem>> -> memref<4x2x125xi32, #tpu.memory_space<vmem>>
      %dma_wait3A_100 = arith.constant 0 : i32
      %dma_wait3A_101 = arith.constant 0 : i32
      %dma_wait3A_102 = arith.constant 0 : i32
      %dma_wait3A_103 = tpu.memref_slice %arg3[%mul3A_52, %dma_wait3A_100, %dma_wait3A_101, %dma_wait3A_102] : memref<640x4x2x125xi32, #tpu.memory_space<hbm>> -> memref<1x4x2x125xi32, #tpu.memory_space<hbm>>
      %dma_wait3A_104 = tpu.memref_squeeze %dma_wait3A_103 : memref<1x4x2x125xi32, #tpu.memory_space<hbm>> -> memref<4x2x125xi32, #tpu.memory_space<hbm>>
      tpu.wait_dma2 semaphore(%run_scoped3A_66 : memref<!tpu.dma_semaphore, #tpu.memory_space<semaphore_mem>>) src(%dma_wait3A_104 : memref<4x2x125xi32, #tpu.memory_space<hbm>>) dst(%dma_wait3A_99 : memref<4x2x125xi32, #tpu.memory_space<vmem>>)
      tpu.yield
    }) : () -> ()
    %barrier3A = arith.constant 0 : index
    tpu.barrier barrier_id(%barrier3A)
    %scan3A = arith.constant 0 : i32
    %scan3A_53 = arith.constant 0 : i32
    %scan3A_54 = arith.constant 20 : i32
    %scan3A_55 = arith.addi %scan3A_53, %scan3A_54 : i32
    %scan3A_56 = arith.constant 1 : i32
    scf.for %scan3A_66 = %scan3A_53 to %scan3A_55 step %scan3A_56  : i32 {
      %rem3A = arith.constant 2 : i32
      %rem3A_67 = arith.remsi %scan3A_66, %rem3A : i32
      %lt3A = arith.constant 19 : i32
      %lt3A_68 = arith.cmpi slt, %scan3A_66, %lt3A : i32
      %convert_element_type3A = arith.extui %lt3A_68 : i1 to i32
      %cond3A = arith.constant 0 : i32
      %cond3A_69 = arith.cmpi ne, %convert_element_type3A, %cond3A : i32
      scf.if %cond3A_69 {
        %add3A_118 = arith.addi %mul3A_52, %scan3A_66 : i32
        %add3A_119 = arith.constant 1 : i32
        %add3A_120 = arith.addi %add3A_118, %add3A_119 : i32
        %sub3A = arith.constant 1 : i32
        %sub3A_121 = arith.subi %sub3A, %rem3A_67 : i32
        %dma_start3A_122 = arith.constant 0 : i32
        %dma_start3A_123 = arith.constant 0 : i32
        %dma_start3A_124 = arith.constant 0 : i32
        %dma_start3A_125 = tpu.memref_slice %arg8[%sub3A_121, %dma_start3A_122, %dma_start3A_123, %dma_start3A_124] : memref<2x4x2x125xi32, #tpu.memory_space<vmem>> -> memref<1x4x2x125xi32, #tpu.memory_space<vmem>>
        %dma_start3A_126 = tpu.memref_squeeze %dma_start3A_125 : memref<1x4x2x125xi32, #tpu.memory_space<vmem>> -> memref<4x2x125xi32, #tpu.memory_space<vmem>>
        %dma_start3A_127 = arith.constant 0 : i32
        %dma_start3A_128 = arith.constant 0 : i32
        %dma_start3A_129 = arith.constant 0 : i32
        %dma_start3A_130 = tpu.memref_slice %arg3[%add3A_120, %dma_start3A_127, %dma_start3A_128, %dma_start3A_129] : memref<640x4x2x125xi32, #tpu.memory_space<hbm>> -> memref<1x4x2x125xi32, #tpu.memory_space<hbm>>
        %dma_start3A_131 = tpu.memref_squeeze %dma_start3A_130 : memref<1x4x2x125xi32, #tpu.memory_space<hbm>> -> memref<4x2x125xi32, #tpu.memory_space<hbm>>
        %dma_start3A_132 = arith.constant 0 : i32
        %dma_start3A_133 = arith.constant 0 : i32
        %dma_start3A_134 = arith.constant 0 : i32
        %dma_start3A_135 = tpu.memref_slice %arg8[%sub3A_121, %dma_start3A_132, %dma_start3A_133, %dma_start3A_134] : memref<2x4x2x125xi32, #tpu.memory_space<vmem>> -> memref<1x4x2x125xi32, #tpu.memory_space<vmem>>
        %dma_start3A_136 = tpu.memref_squeeze %dma_start3A_135 : memref<1x4x2x125xi32, #tpu.memory_space<vmem>> -> memref<4x2x125xi32, #tpu.memory_space<vmem>>
        %dma_start3A_137 = arith.constant 0 : i32
        %dma_start3A_138 = arith.constant 0 : i32
        %dma_start3A_139 = arith.constant 0 : i32
        %dma_start3A_140 = tpu.memref_slice %arg3[%add3A_120, %dma_start3A_137, %dma_start3A_138, %dma_start3A_139] : memref<640x4x2x125xi32, #tpu.memory_space<hbm>> -> memref<1x4x2x125xi32, #tpu.memory_space<hbm>>
        %dma_start3A_141 = tpu.memref_squeeze %dma_start3A_140 : memref<1x4x2x125xi32, #tpu.memory_space<hbm>> -> memref<4x2x125xi32, #tpu.memory_space<hbm>>
        tpu.enqueue_dma source(%dma_start3A_141 : memref<4x2x125xi32, #tpu.memory_space<hbm>>) target(%dma_start3A_136 : memref<4x2x125xi32, #tpu.memory_space<vmem>>) target_semaphore(%arg12 : memref<!tpu.dma_semaphore, #tpu.memory_space<semaphore_mem>>)
      } else {
      }
      %dma_start3A = arith.constant 0 : i32
      %dma_start3A_70 = arith.constant 0 : i32
      %dma_start3A_71 = arith.constant 0 : i32
      %dma_start3A_72 = arith.constant 0 : i32
      %dma_start3A_73 = arith.constant 0 : i32
      %dma_start3A_74 = tpu.memref_slice %arg9[%dma_start3A_71, %dma_start3A_72, %dma_start3A_73] : memref<2x125x128xf32, #tpu.memory_space<vmem>> -> memref<1x125x128xf32, #tpu.memory_space<vmem>>
      %dma_start3A_75 = tpu.memref_squeeze %dma_start3A_74 : memref<1x125x128xf32, #tpu.memory_space<vmem>> -> memref<125x128xf32, #tpu.memory_space<vmem>>
      %dma_start3A_76 = arith.constant 0 : i32
      %dma_start3A_77 = tpu.memref_slice %arg8[%rem3A_67, %dma_start3A, %dma_start3A_70, %dma_start3A_76] : memref<2x4x2x125xi32, #tpu.memory_space<vmem>> -> memref<1x1x1x125xi32, #tpu.memory_space<vmem>>
      %dma_start3A_78 = tpu.memref_squeeze %dma_start3A_77 : memref<1x1x1x125xi32, #tpu.memory_space<vmem>> -> memref<125xi32, #tpu.memory_space<vmem>>
      %dma_start3A_79 = arith.constant 0 : i32
      %dma_start3A_80 = arith.constant 0 : i32
      %dma_start3A_81 = tpu.memref_slice %arg2[%dma_start3A_79, %dma_start3A_80] : memref<10000x128xf32, #tpu.memory_space<hbm>> -> memref<10000x128xf32, #tpu.memory_space<hbm>>
      tpu.enqueue_indirect_dma source(%dma_start3A_81 : memref<10000x128xf32, #tpu.memory_space<hbm>>) target(%dma_start3A_75 : memref<125x128xf32, #tpu.memory_space<vmem>>) offsets(%dma_start3A_78 : memref<125xi32, #tpu.memory_space<vmem>>) semaphore(%arg11 : memref<!tpu.dma_semaphore, #tpu.memory_space<semaphore_mem>>)
      %scan3A_82 = arith.constant 0 : i32
      %scan3A_83 = arith.constant 0 : i32
      %scan3A_84 = arith.constant 4 : i32
      %scan3A_85 = arith.addi %scan3A_83, %scan3A_84 : i32
      %scan3A_86 = arith.constant 1 : i32
      scf.for %scan3A_118 = %scan3A_83 to %scan3A_85 step %scan3A_86  : i32 {
        %rem3A_119 = arith.constant 2 : i32
        %rem3A_120 = arith.remsi %scan3A_118, %rem3A_119 : i32
        %lt3A_121 = arith.constant 3 : i32
        %lt3A_122 = arith.cmpi slt, %scan3A_118, %lt3A_121 : i32
        %convert_element_type3A_123 = arith.extui %lt3A_122 : i1 to i32
        %cond3A_124 = arith.constant 0 : i32
        %cond3A_125 = arith.cmpi ne, %convert_element_type3A_123, %cond3A_124 : i32
        scf.if %cond3A_125 {
          %ge3A = arith.constant 1 : i32
          %ge3A_156 = arith.cmpi sge, %scan3A_118, %ge3A : i32
          %convert_element_type3A_157 = arith.extui %ge3A_156 : i1 to i32
          %cond3A_158 = arith.constant 0 : i32
          %cond3A_159 = arith.cmpi ne, %convert_element_type3A_157, %cond3A_158 : i32
          scf.if %cond3A_159 {
            %sub3A_174 = arith.constant 1 : i32
            %sub3A_175 = arith.subi %sub3A_174, %rem3A_120 : i32
            %sub3A_176 = arith.constant 1 : i32
            %sub3A_177 = arith.subi %scan3A_118, %sub3A_176 : i32
            %dma_wait3A_178 = arith.constant 1 : i32
            %dma_wait3A_179 = arith.constant 0 : i32
            %dma_wait3A_180 = arith.constant 0 : i32
            %dma_wait3A_181 = tpu.memref_slice %arg9[%sub3A_175, %dma_wait3A_179, %dma_wait3A_180] : memref<2x125x128xf32, #tpu.memory_space<vmem>> -> memref<1x125x128xf32, #tpu.memory_space<vmem>>
            %dma_wait3A_182 = tpu.memref_squeeze %dma_wait3A_181 : memref<1x125x128xf32, #tpu.memory_space<vmem>> -> memref<125x128xf32, #tpu.memory_space<vmem>>
            %dma_wait3A_183 = arith.constant 0 : i32
            %dma_wait3A_184 = tpu.memref_slice %arg8[%rem3A_67, %sub3A_177, %dma_wait3A_178, %dma_wait3A_183] : memref<2x4x2x125xi32, #tpu.memory_space<vmem>> -> memref<1x1x1x125xi32, #tpu.memory_space<vmem>>
            %dma_wait3A_185 = tpu.memref_squeeze %dma_wait3A_184 : memref<1x1x1x125xi32, #tpu.memory_space<vmem>> -> memref<125xi32, #tpu.memory_space<vmem>>
            %dma_wait3A_186 = arith.constant 0 : i32
            %dma_wait3A_187 = arith.constant 0 : i32
            %dma_wait3A_188 = tpu.memref_slice %arg10[%dma_wait3A_186, %dma_wait3A_187] : memref<10240x128xf32, #tpu.memory_space<vmem_shared>> -> memref<10240x128xf32, #tpu.memory_space<vmem_shared>>
            tpu.wait_indirect_dma semaphore(%arg13 : memref<!tpu.dma_semaphore, #tpu.memory_space<semaphore_mem>>) src(%dma_wait3A_182 : memref<125x128xf32, #tpu.memory_space<vmem>>) dst(%dma_wait3A_188 : memref<10240x128xf32, #tpu.memory_space<vmem_shared>>)
          } else {
          }
          %add3A_160 = arith.constant 1 : i32
          %add3A_161 = arith.addi %scan3A_118, %add3A_160 : i32
          %sub3A = arith.constant 1 : i32
          %sub3A_162 = arith.subi %sub3A, %rem3A_120 : i32
          %dma_start3A_163 = arith.constant 0 : i32
          %dma_start3A_164 = arith.constant 0 : i32
          %dma_start3A_165 = arith.constant 0 : i32
          %dma_start3A_166 = tpu.memref_slice %arg9[%sub3A_162, %dma_start3A_164, %dma_start3A_165] : memref<2x125x128xf32, #tpu.memory_space<vmem>> -> memref<1x125x128xf32, #tpu.memory_space<vmem>>
          %dma_start3A_167 = tpu.memref_squeeze %dma_start3A_166 : memref<1x125x128xf32, #tpu.memory_space<vmem>> -> memref<125x128xf32, #tpu.memory_space<vmem>>
          %dma_start3A_168 = arith.constant 0 : i32
          %dma_start3A_169 = tpu.memref_slice %arg8[%rem3A_67, %add3A_161, %dma_start3A_163, %dma_start3A_168] : memref<2x4x2x125xi32, #tpu.memory_space<vmem>> -> memref<1x1x1x125xi32, #tpu.memory_space<vmem>>
          %dma_start3A_170 = tpu.memref_squeeze %dma_start3A_169 : memref<1x1x1x125xi32, #tpu.memory_space<vmem>> -> memref<125xi32, #tpu.memory_space<vmem>>
          %dma_start3A_171 = arith.constant 0 : i32
          %dma_start3A_172 = arith.constant 0 : i32
          %dma_start3A_173 = tpu.memref_slice %arg2[%dma_start3A_171, %dma_start3A_172] : memref<10000x128xf32, #tpu.memory_space<hbm>> -> memref<10000x128xf32, #tpu.memory_space<hbm>>
          tpu.enqueue_indirect_dma source(%dma_start3A_173 : memref<10000x128xf32, #tpu.memory_space<hbm>>) target(%dma_start3A_167 : memref<125x128xf32, #tpu.memory_space<vmem>>) offsets(%dma_start3A_170 : memref<125xi32, #tpu.memory_space<vmem>>) semaphore(%arg11 : memref<!tpu.dma_semaphore, #tpu.memory_space<semaphore_mem>>)
        } else {
        }
        %dma_wait3A_126 = arith.constant 0 : i32
        %dma_wait3A_127 = arith.constant 0 : i32
        %dma_wait3A_128 = arith.constant 0 : i32
        %dma_wait3A_129 = tpu.memref_slice %arg9[%rem3A_120, %dma_wait3A_127, %dma_wait3A_128] : memref<2x125x128xf32, #tpu.memory_space<vmem>> -> memref<1x125x128xf32, #tpu.memory_space<vmem>>
        %dma_wait3A_130 = tpu.memref_squeeze %dma_wait3A_129 : memref<1x125x128xf32, #tpu.memory_space<vmem>> -> memref<125x128xf32, #tpu.memory_space<vmem>>
        %dma_wait3A_131 = arith.constant 0 : i32
        %dma_wait3A_132 = tpu.memref_slice %arg8[%rem3A_67, %scan3A_118, %dma_wait3A_126, %dma_wait3A_131] : memref<2x4x2x125xi32, #tpu.memory_space<vmem>> -> memref<1x1x1x125xi32, #tpu.memory_space<vmem>>
        %dma_wait3A_133 = tpu.memref_squeeze %dma_wait3A_132 : memref<1x1x1x125xi32, #tpu.memory_space<vmem>> -> memref<125xi32, #tpu.memory_space<vmem>>
        %dma_wait3A_134 = arith.constant 0 : i32
        %dma_wait3A_135 = arith.constant 0 : i32
        %dma_wait3A_136 = tpu.memref_slice %arg2[%dma_wait3A_134, %dma_wait3A_135] : memref<10000x128xf32, #tpu.memory_space<hbm>> -> memref<10000x128xf32, #tpu.memory_space<hbm>>
        tpu.wait_indirect_dma semaphore(%arg11 : memref<!tpu.dma_semaphore, #tpu.memory_space<semaphore_mem>>) src(%dma_wait3A_136 : memref<10000x128xf32, #tpu.memory_space<hbm>>) dst(%dma_wait3A_130 : memref<125x128xf32, #tpu.memory_space<vmem>>)
        %dma_start3A_137 = arith.constant 1 : i32
        %dma_start3A_138 = arith.constant 0 : i32
        %dma_start3A_139 = arith.constant 0 : i32
        %dma_start3A_140 = tpu.memref_slice %arg9[%rem3A_120, %dma_start3A_138, %dma_start3A_139] : memref<2x125x128xf32, #tpu.memory_space<vmem>> -> memref<1x125x128xf32, #tpu.memory_space<vmem>>
        %dma_start3A_141 = tpu.memref_squeeze %dma_start3A_140 : memref<1x125x128xf32, #tpu.memory_space<vmem>> -> memref<125x128xf32, #tpu.memory_space<vmem>>
        %dma_start3A_142 = arith.constant 0 : i32
        %dma_start3A_143 = tpu.memref_slice %arg8[%rem3A_67, %scan3A_118, %dma_start3A_137, %dma_start3A_142] : memref<2x4x2x125xi32, #tpu.memory_space<vmem>> -> memref<1x1x1x125xi32, #tpu.memory_space<vmem>>
        %dma_start3A_144 = tpu.memref_squeeze %dma_start3A_143 : memref<1x1x1x125xi32, #tpu.memory_space<vmem>> -> memref<125xi32, #tpu.memory_space<vmem>>
        %dma_start3A_145 = arith.constant 0 : i32
        %dma_start3A_146 = arith.constant 0 : i32
        %dma_start3A_147 = tpu.memref_slice %arg10[%dma_start3A_145, %dma_start3A_146] : memref<10240x128xf32, #tpu.memory_space<vmem_shared>> -> memref<10240x128xf32, #tpu.memory_space<vmem_shared>>
        tpu.enqueue_indirect_dma source(%dma_start3A_141 : memref<125x128xf32, #tpu.memory_space<vmem>>) target(%dma_start3A_147 : memref<10240x128xf32, #tpu.memory_space<vmem_shared>>) offsets(%dma_start3A_144 : memref<125xi32, #tpu.memory_space<vmem>>) semaphore(%arg13 : memref<!tpu.dma_semaphore, #tpu.memory_space<semaphore_mem>>) {add = true}
        %dma_start3A_148 = arith.constant 1 : i32
        %dma_start3A_149 = arith.constant 0 : i32
        %dma_start3A_150 = tpu.memref_slice %arg15[%dma_start3A_149] : memref<128xf32, #tpu.memory_space<vmem>> -> memref<125xf32, #tpu.memory_space<vmem>>
        %dma_start3A_151 = arith.constant 0 : i32
        %dma_start3A_152 = tpu.memref_slice %arg8[%rem3A_67, %scan3A_118, %dma_start3A_148, %dma_start3A_151] : memref<2x4x2x125xi32, #tpu.memory_space<vmem>> -> memref<1x1x1x125xi32, #tpu.memory_space<vmem>>
        %dma_start3A_153 = tpu.memref_squeeze %dma_start3A_152 : memref<1x1x1x125xi32, #tpu.memory_space<vmem>> -> memref<125xi32, #tpu.memory_space<vmem>>
        %dma_start3A_154 = arith.constant 0 : i32
        %dma_start3A_155 = tpu.memref_slice %arg16[%dma_start3A_154] : memref<10240xf32, #tpu.memory_space<vmem_shared>> -> memref<10240xf32, #tpu.memory_space<vmem_shared>>
        tpu.enqueue_indirect_dma source(%dma_start3A_150 : memref<125xf32, #tpu.memory_space<vmem>>) target(%dma_start3A_155 : memref<10240xf32, #tpu.memory_space<vmem_shared>>) offsets(%dma_start3A_153 : memref<125xi32, #tpu.memory_space<vmem>>) semaphore(%arg17 : memref<!tpu.dma_semaphore, #tpu.memory_space<semaphore_mem>>) {add = true}
      }
      %scan3A_87 = arith.constant 4 : i32
      %dma_wait3A = arith.constant 0 : i32
      %dma_wait3A_88 = arith.constant 0 : i32
      %dma_wait3A_89 = arith.constant 1 : i32
      %dma_wait3A_90 = arith.constant 0 : i32
      %dma_wait3A_91 = arith.constant 0 : i32
      %dma_wait3A_92 = tpu.memref_slice %arg9[%dma_wait3A, %dma_wait3A_90, %dma_wait3A_91] : memref<2x125x128xf32, #tpu.memory_space<vmem>> -> memref<1x125x128xf32, #tpu.memory_space<vmem>>
      %dma_wait3A_93 = tpu.memref_squeeze %dma_wait3A_92 : memref<1x125x128xf32, #tpu.memory_space<vmem>> -> memref<125x128xf32, #tpu.memory_space<vmem>>
      %dma_wait3A_94 = arith.constant 0 : i32
      %dma_wait3A_95 = tpu.memref_slice %arg8[%rem3A_67, %dma_wait3A_88, %dma_wait3A_89, %dma_wait3A_94] : memref<2x4x2x125xi32, #tpu.memory_space<vmem>> -> memref<1x1x1x125xi32, #tpu.memory_space<vmem>>
      %dma_wait3A_96 = tpu.memref_squeeze %dma_wait3A_95 : memref<1x1x1x125xi32, #tpu.memory_space<vmem>> -> memref<125xi32, #tpu.memory_space<vmem>>
      %dma_wait3A_97 = arith.constant 0 : i32
      %dma_wait3A_98 = arith.constant 0 : i32
      %dma_wait3A_99 = tpu.memref_slice %arg10[%dma_wait3A_97, %dma_wait3A_98] : memref<10240x128xf32, #tpu.memory_space<vmem_shared>> -> memref<10240x128xf32, #tpu.memory_space<vmem_shared>>
      tpu.wait_indirect_dma semaphore(%arg13 : memref<!tpu.dma_semaphore, #tpu.memory_space<semaphore_mem>>) src(%dma_wait3A_93 : memref<125x128xf32, #tpu.memory_space<vmem>>) dst(%dma_wait3A_99 : memref<10240x128xf32, #tpu.memory_space<vmem_shared>>)
      %dma_wait3A_100 = arith.constant 0 : i32
      %dma_wait3A_101 = arith.constant 0 : i32
      %dma_wait3A_102 = arith.constant 1 : i32
      %dma_wait3A_103 = arith.constant 0 : i32
      %dma_wait3A_104 = arith.constant 0 : i32
      %dma_wait3A_105 = tpu.memref_slice %arg9[%dma_wait3A_100, %dma_wait3A_103, %dma_wait3A_104] : memref<2x125x128xf32, #tpu.memory_space<vmem>> -> memref<1x125x128xf32, #tpu.memory_space<vmem>>
      %dma_wait3A_106 = tpu.memref_squeeze %dma_wait3A_105 : memref<1x125x128xf32, #tpu.memory_space<vmem>> -> memref<125x128xf32, #tpu.memory_space<vmem>>
      %dma_wait3A_107 = arith.constant 0 : i32
      %dma_wait3A_108 = tpu.memref_slice %arg8[%rem3A_67, %dma_wait3A_101, %dma_wait3A_102, %dma_wait3A_107] : memref<2x4x2x125xi32, #tpu.memory_space<vmem>> -> memref<1x1x1x125xi32, #tpu.memory_space<vmem>>
      %dma_wait3A_109 = tpu.memref_squeeze %dma_wait3A_108 : memref<1x1x1x125xi32, #tpu.memory_space<vmem>> -> memref<125xi32, #tpu.memory_space<vmem>>
      %dma_wait3A_110 = arith.constant 0 : i32
      %dma_wait3A_111 = arith.constant 0 : i32
      %dma_wait3A_112 = tpu.memref_slice %arg10[%dma_wait3A_110, %dma_wait3A_111] : memref<10240x128xf32, #tpu.memory_space<vmem_shared>> -> memref<10240x128xf32, #tpu.memory_space<vmem_shared>>
      tpu.wait_indirect_dma semaphore(%arg13 : memref<!tpu.dma_semaphore, #tpu.memory_space<semaphore_mem>>) src(%dma_wait3A_106 : memref<125x128xf32, #tpu.memory_space<vmem>>) dst(%dma_wait3A_112 : memref<10240x128xf32, #tpu.memory_space<vmem_shared>>)
      %lt3A_113 = arith.constant 19 : i32
      %lt3A_114 = arith.cmpi slt, %scan3A_66, %lt3A_113 : i32
      %convert_element_type3A_115 = arith.extui %lt3A_114 : i1 to i32
      %cond3A_116 = arith.constant 0 : i32
      %cond3A_117 = arith.cmpi ne, %convert_element_type3A_115, %cond3A_116 : i32
      scf.if %cond3A_117 {
        %add3A_118 = arith.addi %mul3A_52, %scan3A_66 : i32
        %add3A_119 = arith.constant 1 : i32
        %add3A_120 = arith.addi %add3A_118, %add3A_119 : i32
        %sub3A = arith.constant 1 : i32
        %sub3A_121 = arith.subi %sub3A, %rem3A_67 : i32
        %dma_wait3A_122 = arith.constant 0 : i32
        %dma_wait3A_123 = arith.constant 0 : i32
        %dma_wait3A_124 = arith.constant 0 : i32
        %dma_wait3A_125 = tpu.memref_slice %arg8[%sub3A_121, %dma_wait3A_122, %dma_wait3A_123, %dma_wait3A_124] : memref<2x4x2x125xi32, #tpu.memory_space<vmem>> -> memref<1x4x2x125xi32, #tpu.memory_space<vmem>>
        %dma_wait3A_126 = tpu.memref_squeeze %dma_wait3A_125 : memref<1x4x2x125xi32, #tpu.memory_space<vmem>> -> memref<4x2x125xi32, #tpu.memory_space<vmem>>
        %dma_wait3A_127 = arith.constant 0 : i32
        %dma_wait3A_128 = arith.constant 0 : i32
        %dma_wait3A_129 = arith.constant 0 : i32
        %dma_wait3A_130 = tpu.memref_slice %arg3[%add3A_120, %dma_wait3A_127, %dma_wait3A_128, %dma_wait3A_129] : memref<640x4x2x125xi32, #tpu.memory_space<hbm>> -> memref<1x4x2x125xi32, #tpu.memory_space<hbm>>
        %dma_wait3A_131 = tpu.memref_squeeze %dma_wait3A_130 : memref<1x4x2x125xi32, #tpu.memory_space<hbm>> -> memref<4x2x125xi32, #tpu.memory_space<hbm>>
        %dma_wait3A_132 = arith.constant 0 : i32
        %dma_wait3A_133 = arith.constant 0 : i32
        %dma_wait3A_134 = arith.constant 0 : i32
        %dma_wait3A_135 = tpu.memref_slice %arg8[%sub3A_121, %dma_wait3A_132, %dma_wait3A_133, %dma_wait3A_134] : memref<2x4x2x125xi32, #tpu.memory_space<vmem>> -> memref<1x4x2x125xi32, #tpu.memory_space<vmem>>
        %dma_wait3A_136 = tpu.memref_squeeze %dma_wait3A_135 : memref<1x4x2x125xi32, #tpu.memory_space<vmem>> -> memref<4x2x125xi32, #tpu.memory_space<vmem>>
        %dma_wait3A_137 = arith.constant 0 : i32
        %dma_wait3A_138 = arith.constant 0 : i32
        %dma_wait3A_139 = arith.constant 0 : i32
        %dma_wait3A_140 = tpu.memref_slice %arg3[%add3A_120, %dma_wait3A_137, %dma_wait3A_138, %dma_wait3A_139] : memref<640x4x2x125xi32, #tpu.memory_space<hbm>> -> memref<1x4x2x125xi32, #tpu.memory_space<hbm>>
        %dma_wait3A_141 = tpu.memref_squeeze %dma_wait3A_140 : memref<1x4x2x125xi32, #tpu.memory_space<hbm>> -> memref<4x2x125xi32, #tpu.memory_space<hbm>>
        tpu.wait_dma2 semaphore(%arg12 : memref<!tpu.dma_semaphore, #tpu.memory_space<semaphore_mem>>) src(%dma_wait3A_141 : memref<4x2x125xi32, #tpu.memory_space<hbm>>) dst(%dma_wait3A_136 : memref<4x2x125xi32, #tpu.memory_space<vmem>>)
      } else {
      }
    }
    %scan3A_57 = arith.constant 20 : i32
    %scan3A_58 = arith.constant 0 : i32
    %scan3A_59 = arith.constant 0 : i32
    %scan3A_60 = arith.constant 80 : i32
    %scan3A_61 = arith.addi %scan3A_59, %scan3A_60 : i32
    %scan3A_62 = arith.constant 1 : i32
    scf.for %scan3A_66 = %scan3A_59 to %scan3A_61 step %scan3A_62  : i32 {
      %dma_wait3A = arith.constant 0 : i32
      %dma_wait3A_67 = arith.constant 0 : i32
      %dma_wait3A_68 = arith.constant 1 : i32
      %dma_wait3A_69 = arith.constant 0 : i32
      %dma_wait3A_70 = tpu.memref_slice %arg15[%dma_wait3A_69] : memref<128xf32, #tpu.memory_space<vmem>> -> memref<125xf32, #tpu.memory_space<vmem>>
      %dma_wait3A_71 = arith.constant 0 : i32
      %dma_wait3A_72 = tpu.memref_slice %arg8[%dma_wait3A, %dma_wait3A_67, %dma_wait3A_68, %dma_wait3A_71] : memref<2x4x2x125xi32, #tpu.memory_space<vmem>> -> memref<1x1x1x125xi32, #tpu.memory_space<vmem>>
      %dma_wait3A_73 = tpu.memref_squeeze %dma_wait3A_72 : memref<1x1x1x125xi32, #tpu.memory_space<vmem>> -> memref<125xi32, #tpu.memory_space<vmem>>
      %dma_wait3A_74 = arith.constant 0 : i32
      %dma_wait3A_75 = tpu.memref_slice %arg16[%dma_wait3A_74] : memref<10240xf32, #tpu.memory_space<vmem_shared>> -> memref<10240xf32, #tpu.memory_space<vmem_shared>>
      tpu.wait_indirect_dma semaphore(%arg17 : memref<!tpu.dma_semaphore, #tpu.memory_space<semaphore_mem>>) src(%dma_wait3A_70 : memref<125xf32, #tpu.memory_space<vmem>>) dst(%dma_wait3A_75 : memref<10240xf32, #tpu.memory_space<vmem_shared>>)
    }
    %scan3A_63 = arith.constant 80 : i32
    %barrier3A_64 = arith.constant 0 : index
    tpu.barrier barrier_id(%barrier3A_64)
    "tpu.region"() ({
      %run_scoped3A_66 = tpu.sem_alloc : memref<!tpu.dma_semaphore, #tpu.memory_space<semaphore_mem>>
      %dma_start3A = arith.constant 0 : i32
      %dma_start3A_67 = tpu.memref_slice %arg6[%arg0, %mul3A_2, %dma_start3A] : memref<2x10240x128xf32, #tpu.memory_space<hbm>> -> memref<1x640x128xf32, #tpu.memory_space<hbm>>
      %dma_start3A_68 = tpu.memref_squeeze %dma_start3A_67 : memref<1x640x128xf32, #tpu.memory_space<hbm>> -> memref<640x128xf32, #tpu.memory_space<hbm>>
      %dma_start3A_69 = arith.constant 0 : i32
      %dma_start3A_70 = tpu.memref_slice %arg10[%mul3A_2, %dma_start3A_69] : memref<10240x128xf32, #tpu.memory_space<vmem_shared>> -> memref<640x128xf32, #tpu.memory_space<vmem_shared>>
      tpu.enqueue_dma source(%dma_start3A_70 : memref<640x128xf32, #tpu.memory_space<vmem_shared>>) target(%dma_start3A_68 : memref<640x128xf32, #tpu.memory_space<hbm>>) target_semaphore(%run_scoped3A_66 : memref<!tpu.dma_semaphore, #tpu.memory_space<semaphore_mem>>)
      %dma_wait3A = arith.constant 0 : i32
      %dma_wait3A_71 = tpu.memref_slice %arg6[%arg0, %mul3A_2, %dma_wait3A] : memref<2x10240x128xf32, #tpu.memory_space<hbm>> -> memref<1x640x128xf32, #tpu.memory_space<hbm>>
      %dma_wait3A_72 = tpu.memref_squeeze %dma_wait3A_71 : memref<1x640x128xf32, #tpu.memory_space<hbm>> -> memref<640x128xf32, #tpu.memory_space<hbm>>
      %dma_wait3A_73 = arith.constant 0 : i32
      %dma_wait3A_74 = tpu.memref_slice %arg10[%mul3A_2, %dma_wait3A_73] : memref<10240x128xf32, #tpu.memory_space<vmem_shared>> -> memref<640x128xf32, #tpu.memory_space<vmem_shared>>
      tpu.wait_dma2 semaphore(%run_scoped3A_66 : memref<!tpu.dma_semaphore, #tpu.memory_space<semaphore_mem>>) src(%dma_wait3A_74 : memref<640x128xf32, #tpu.memory_space<vmem_shared>>) dst(%dma_wait3A_72 : memref<640x128xf32, #tpu.memory_space<hbm>>)
      tpu.yield
    }) : () -> ()
    %run_scoped3A_65 = arith.constant 0 : i32
    "tpu.region"() ({
      %run_scoped3A_66 = tpu.sem_alloc : memref<!tpu.dma_semaphore, #tpu.memory_space<semaphore_mem>>
      %dma_start3A = tpu.memref_slice %arg7[%arg0, %run_scoped3A_65, %mul3A_4] : memref<2x1x10240xf32, #tpu.memory_space<hbm>> -> memref<1x1x640xf32, #tpu.memory_space<hbm>>
      %dma_start3A_67 = tpu.memref_squeeze %dma_start3A : memref<1x1x640xf32, #tpu.memory_space<hbm>> -> memref<640xf32, #tpu.memory_space<hbm>>
      %dma_start3A_68 = tpu.memref_slice %arg16[%mul3A_4] : memref<10240xf32, #tpu.memory_space<vmem_shared>> -> memref<640xf32, #tpu.memory_space<vmem_shared>>
      tpu.enqueue_dma source(%dma_start3A_68 : memref<640xf32, #tpu.memory_space<vmem_shared>>) target(%dma_start3A_67 : memref<640xf32, #tpu.memory_space<hbm>>) target_semaphore(%run_scoped3A_66 : memref<!tpu.dma_semaphore, #tpu.memory_space<semaphore_mem>>)
      %dma_wait3A = tpu.memref_slice %arg7[%arg0, %run_scoped3A_65, %mul3A_4] : memref<2x1x10240xf32, #tpu.memory_space<hbm>> -> memref<1x1x640xf32, #tpu.memory_space<hbm>>
      %dma_wait3A_69 = tpu.memref_squeeze %dma_wait3A : memref<1x1x640xf32, #tpu.memory_space<hbm>> -> memref<640xf32, #tpu.memory_space<hbm>>
      %dma_wait3A_70 = tpu.memref_slice %arg16[%mul3A_4] : memref<10240xf32, #tpu.memory_space<vmem_shared>> -> memref<640xf32, #tpu.memory_space<vmem_shared>>
      tpu.wait_dma2 semaphore(%run_scoped3A_66 : memref<!tpu.dma_semaphore, #tpu.memory_space<semaphore_mem>>) src(%dma_wait3A_70 : memref<640xf32, #tpu.memory_space<vmem_shared>>) dst(%dma_wait3A_69 : memref<640xf32, #tpu.memory_space<hbm>>)
      tpu.yield
    }) : () -> ()
    return
  }
}

module attributes {stable_mosaic.version = 14 : i64} {
  func.func @_tcr_body(%arg0: i32, %arg1: memref<1000x128xf32, #tpu.memory_space<vmem>>, %arg2: memref<128x128xf32, #tpu.memory_space<vmem>>, %arg3: memref<1x128xf32, #tpu.memory_space<vmem>>, %arg4: memref<1000x128xf32, #tpu.memory_space<vmem>>) attributes {dimension_semantics = [#tpu.dimension_semantics<arbitrary>], iteration_bounds = array<i64: 10>, scalar_prefetch = 0 : i64, scratch_operands = 0 : i64, tpu.core_type = #tpu.core_type<tc>, window_params = [{transform_indices = @transform_0, window_bounds = array<i64: 1000, 128>}, {pipeline_mode = #tpu.pipeline_mode<synchronous>, transform_indices = @transform_1, window_bounds = array<i64: 128, 128>}, {pipeline_mode = #tpu.pipeline_mode<synchronous>, transform_indices = @transform_2, window_bounds = array<i64: 1, 128>}, {transform_indices = @transform_3, window_bounds = array<i64: 1000, 128>}]} {
    %get3A = arith.constant 0 : index
    %get3A_0 = arith.constant 0 : index
    %get3A_1 = vector.load %arg1[%get3A, %get3A_0] : memref<1000x128xf32, #tpu.memory_space<vmem>>, vector<1000x128xf32>
    %get3A_2 = arith.constant 0 : index
    %get3A_3 = arith.constant 0 : index
    %get3A_4 = vector.load %arg2[%get3A_2, %get3A_3] : memref<128x128xf32, #tpu.memory_space<vmem>>, vector<128x128xf32>
    %dot_general3A = arith.constant dense<0.000000e+00> : vector<1000x128xf32>
    %dot_general3A_5 = tpu.matmul %get3A_1, %get3A_4, %dot_general3A {dimension_numbers = #tpu.dot_dimension_numbers<[1], [0], [0], [1], [0, 0, 1, 1], [], []>, transpose_lhs_hint = false} : vector<1000x128xf32>, vector<128x128xf32>, vector<1000x128xf32> -> vector<1000x128xf32>
    %get3A_6 = arith.constant 0 : index
    %get3A_7 = arith.constant 0 : index
    %get3A_8 = vector.load %arg3[%get3A_6, %get3A_7] : memref<1x128xf32, #tpu.memory_space<vmem>>, vector<1x128xf32>
    %add3A = vector.broadcast %get3A_8 : vector<1x128xf32> to vector<1000x128xf32>
    %add3A_9 = arith.addf %dot_general3A_5, %add3A : vector<1000x128xf32>
    %swap3A = arith.constant 0 : index
    %swap3A_10 = arith.constant 0 : index
    %swap3A_11 = vector.load %arg4[%swap3A, %swap3A_10] : memref<1000x128xf32, #tpu.memory_space<vmem>>, vector<1000x128xf32>
    tpu.vector_store %arg4[%swap3A, %swap3A_10], %add3A_9 {strides = array<i32>} : memref<1000x128xf32, #tpu.memory_space<vmem>>, vector<1000x128xf32>,
    return
  }
  func.func @transform_0(%arg0: i32) -> (i32, i32) {
    %c0_i32 = arith.constant 0 : i32
    %c0_i32_0 = arith.constant 0 : i32
    return %arg0, %c0_i32 : i32, i32
  }
  func.func @transform_1(%arg0: i32) -> (i32, i32) {
    %c0_i32 = arith.constant 0 : i32
    %c0_i32_0 = arith.constant 0 : i32
    %c0_i32_1 = arith.constant 0 : i32
    return %c0_i32, %c0_i32_0 : i32, i32
  }
  func.func @transform_2(%arg0: i32) -> (i32, i32) {
    %c0_i32 = arith.constant 0 : i32
    %c0_i32_0 = arith.constant 0 : i32
    %c0_i32_1 = arith.constant 0 : i32
    return %c0_i32, %c0_i32_0 : i32, i32
  }
  func.func @transform_3(%arg0: i32) -> (i32, i32) {
    %c0_i32 = arith.constant 0 : i32
    %c0_i32_0 = arith.constant 0 : i32
    return %arg0, %c0_i32 : i32, i32
  }
}

module attributes {stable_mosaic.version = 14 : i64} {
  func.func @_tc1_body(%arg0: i32, %arg1: memref<2x1000x128xf32, #tpu.memory_space<vmem>>, %arg2: memref<1000x2xf32, #tpu.memory_space<vmem>>, %arg3: memref<1000x128xf32, #tpu.memory_space<vmem>>, %arg4: memref<128x128xf32, #tpu.memory_space<vmem>>, %arg5: memref<1000x128xf32, #tpu.memory_space<vmem>>) attributes {dimension_semantics = [#tpu.dimension_semantics<arbitrary>], iteration_bounds = array<i64: 10>, scalar_prefetch = 0 : i64, scratch_operands = 0 : i64, tpu.core_type = #tpu.core_type<tc>, window_params = [{transform_indices = @transform_0, window_bounds = array<i64: 2, 1000, 128>}, {transform_indices = @transform_1, window_bounds = array<i64: 1000, 2>}, {transform_indices = @transform_2, window_bounds = array<i64: 1000, 128>}, {pipeline_mode = #tpu.pipeline_mode<synchronous>, transform_indices = @transform_3, window_bounds = array<i64: 128, 128>}, {transform_indices = @transform_4, window_bounds = array<i64: 1000, 128>}]} {
    %get3A = arith.constant 0 : index
    %get3A_0 = arith.constant 0 : index
    %get3A_1 = vector.load %arg2[%get3A, %get3A_0] : memref<1000x2xf32, #tpu.memory_space<vmem>>, vector<1000x2xf32>
    %slice3A = vector.extract_strided_slice %get3A_1 {offsets = [0, 0], sizes = [1000, 1], strides = [1, 1]} : vector<1000x2xf32> to vector<1000x1xf32>
    %slice3A_2 = vector.extract_strided_slice %get3A_1 {offsets = [0, 1], sizes = [1000, 1], strides = [1, 1]} : vector<1000x2xf32> to vector<1000x1xf32>
    %add3A = arith.addf %slice3A, %slice3A_2 : vector<1000x1xf32>
    %max3A = arith.constant 1.000000e+00 : f32
    %max3A_3 = vector.broadcast %max3A : f32 to vector<1000x1xf32>
    %max3A_4 = arith.maximumf %add3A, %max3A_3 : vector<1000x1xf32>
    %div3A = arith.constant 1.000000e+00 : f32
    %div3A_5 = vector.broadcast %div3A : f32 to vector<1000x1xf32>
    %div3A_6 = arith.divf %div3A_5, %max3A_4 : vector<1000x1xf32>
    %get3A_7 = arith.constant 0 : index
    %get3A_8 = arith.constant 0 : index
    %get3A_9 = arith.constant 0 : index
    %get3A_10 = vector.load %arg1[%get3A_7, %get3A_8, %get3A_9] : memref<2x1000x128xf32, #tpu.memory_space<vmem>>, vector<1x1000x128xf32>
    %get3A_11 = vector.shape_cast %get3A_10 : vector<1x1000x128xf32> to vector<1000x128xf32>
    %get3A_12 = arith.constant 1 : index
    %get3A_13 = arith.constant 0 : index
    %get3A_14 = arith.constant 0 : index
    %get3A_15 = vector.load %arg1[%get3A_12, %get3A_13, %get3A_14] : memref<2x1000x128xf32, #tpu.memory_space<vmem>>, vector<1x1000x128xf32>
    %get3A_16 = vector.shape_cast %get3A_15 : vector<1x1000x128xf32> to vector<1000x128xf32>
    %add3A_17 = arith.addf %get3A_11, %get3A_16 : vector<1000x128xf32>
    %mul3A = vector.broadcast %div3A_6 : vector<1000x1xf32> to vector<1000x128xf32>
    %mul3A_18 = arith.mulf %add3A_17, %mul3A : vector<1000x128xf32>
    %get3A_19 = arith.constant 0 : index
    %get3A_20 = arith.constant 0 : index
    %get3A_21 = vector.load %arg4[%get3A_19, %get3A_20] : memref<128x128xf32, #tpu.memory_space<vmem>>, vector<128x128xf32>
    %dot_general3A = arith.constant dense<0.000000e+00> : vector<1000x128xf32>
    %dot_general3A_22 = tpu.matmul %mul3A_18, %get3A_21, %dot_general3A {dimension_numbers = #tpu.dot_dimension_numbers<[1], [0], [0], [1], [0, 0, 1, 1], [], []>, transpose_lhs_hint = false} : vector<1000x128xf32>, vector<128x128xf32>, vector<1000x128xf32> -> vector<1000x128xf32>
    %get3A_23 = arith.constant 0 : index
    %get3A_24 = arith.constant 0 : index
    %get3A_25 = vector.load %arg3[%get3A_23, %get3A_24] : memref<1000x128xf32, #tpu.memory_space<vmem>>, vector<1000x128xf32>
    %add3A_26 = arith.addf %dot_general3A_22, %get3A_25 : vector<1000x128xf32>
    %max3A_27 = arith.constant 0.000000e+00 : f32
    %max3A_28 = vector.broadcast %max3A_27 : f32 to vector<1000x128xf32>
    %max3A_29 = arith.maximumf %add3A_26, %max3A_28 : vector<1000x128xf32>
    %swap3A = arith.constant 0 : index
    %swap3A_30 = arith.constant 0 : index
    %swap3A_31 = vector.load %arg5[%swap3A, %swap3A_30] : memref<1000x128xf32, #tpu.memory_space<vmem>>, vector<1000x128xf32>
    tpu.vector_store %arg5[%swap3A, %swap3A_30], %max3A_29 {strides = array<i32>} : memref<1000x128xf32, #tpu.memory_space<vmem>>, vector<1000x128xf32>,
    return
  }
  func.func @transform_0(%arg0: i32) -> (i32, i32, i32) {
    %c0_i32 = arith.constant 0 : i32
    %c0_i32_0 = arith.constant 0 : i32
    %c0_i32_1 = arith.constant 0 : i32
    return %c0_i32, %arg0, %c0_i32_0 : i32, i32, i32
  }
  func.func @transform_1(%arg0: i32) -> (i32, i32) {
    %c0_i32 = arith.constant 0 : i32
    %c0_i32_0 = arith.constant 0 : i32
    return %arg0, %c0_i32 : i32, i32
  }
  func.func @transform_2(%arg0: i32) -> (i32, i32) {
    %c0_i32 = arith.constant 0 : i32
    %c0_i32_0 = arith.constant 0 : i32
    return %arg0, %c0_i32 : i32, i32
  }
  func.func @transform_3(%arg0: i32) -> (i32, i32) {
    %c0_i32 = arith.constant 0 : i32
    %c0_i32_0 = arith.constant 0 : i32
    %c0_i32_1 = arith.constant 0 : i32
    return %c0_i32, %c0_i32_0 : i32, i32
  }
  func.func @transform_4(%arg0: i32) -> (i32, i32) {
    %c0_i32 = arith.constant 0 : i32
    %c0_i32_0 = arith.constant 0 : i32
    return %arg0, %c0_i32 : i32, i32
  }
}

module attributes {stable_mosaic.version = 14 : i64} {
  func.func @_tc2_body(%arg0: i32, %arg1: memref<2x1000x128xf32, #tpu.memory_space<vmem>>, %arg2: memref<1000x2xf32, #tpu.memory_space<vmem>>, %arg3: memref<1000x128xf32, #tpu.memory_space<vmem>>, %arg4: memref<128x128xf32, #tpu.memory_space<vmem>>, %arg5: memref<128x128xf32, #tpu.memory_space<vmem>>, %arg6: memref<1x128xf32, #tpu.memory_space<vmem>>, %arg7: memref<1000x128xf32, #tpu.memory_space<vmem>>) attributes {dimension_semantics = [#tpu.dimension_semantics<arbitrary>], iteration_bounds = array<i64: 10>, scalar_prefetch = 0 : i64, scratch_operands = 0 : i64, tpu.core_type = #tpu.core_type<tc>, window_params = [{transform_indices = @transform_0, window_bounds = array<i64: 2, 1000, 128>}, {transform_indices = @transform_1, window_bounds = array<i64: 1000, 2>}, {transform_indices = @transform_2, window_bounds = array<i64: 1000, 128>}, {pipeline_mode = #tpu.pipeline_mode<synchronous>, transform_indices = @transform_3, window_bounds = array<i64: 128, 128>}, {pipeline_mode = #tpu.pipeline_mode<synchronous>, transform_indices = @transform_4, window_bounds = array<i64: 128, 128>}, {pipeline_mode = #tpu.pipeline_mode<synchronous>, transform_indices = @transform_5, window_bounds = array<i64: 1, 128>}, {transform_indices = @transform_6, window_bounds = array<i64: 1000, 128>}]} {
    %get3A = arith.constant 0 : index
    %get3A_0 = arith.constant 0 : index
    %get3A_1 = vector.load %arg2[%get3A, %get3A_0] : memref<1000x2xf32, #tpu.memory_space<vmem>>, vector<1000x2xf32>
    %slice3A = vector.extract_strided_slice %get3A_1 {offsets = [0, 0], sizes = [1000, 1], strides = [1, 1]} : vector<1000x2xf32> to vector<1000x1xf32>
    %slice3A_2 = vector.extract_strided_slice %get3A_1 {offsets = [0, 1], sizes = [1000, 1], strides = [1, 1]} : vector<1000x2xf32> to vector<1000x1xf32>
    %add3A = arith.addf %slice3A, %slice3A_2 : vector<1000x1xf32>
    %max3A = arith.constant 1.000000e+00 : f32
    %max3A_3 = vector.broadcast %max3A : f32 to vector<1000x1xf32>
    %max3A_4 = arith.maximumf %add3A, %max3A_3 : vector<1000x1xf32>
    %div3A = arith.constant 1.000000e+00 : f32
    %div3A_5 = vector.broadcast %div3A : f32 to vector<1000x1xf32>
    %div3A_6 = arith.divf %div3A_5, %max3A_4 : vector<1000x1xf32>
    %get3A_7 = arith.constant 0 : index
    %get3A_8 = arith.constant 0 : index
    %get3A_9 = arith.constant 0 : index
    %get3A_10 = vector.load %arg1[%get3A_7, %get3A_8, %get3A_9] : memref<2x1000x128xf32, #tpu.memory_space<vmem>>, vector<1x1000x128xf32>
    %get3A_11 = vector.shape_cast %get3A_10 : vector<1x1000x128xf32> to vector<1000x128xf32>
    %get3A_12 = arith.constant 1 : index
    %get3A_13 = arith.constant 0 : index
    %get3A_14 = arith.constant 0 : index
    %get3A_15 = vector.load %arg1[%get3A_12, %get3A_13, %get3A_14] : memref<2x1000x128xf32, #tpu.memory_space<vmem>>, vector<1x1000x128xf32>
    %get3A_16 = vector.shape_cast %get3A_15 : vector<1x1000x128xf32> to vector<1000x128xf32>
    %add3A_17 = arith.addf %get3A_11, %get3A_16 : vector<1000x128xf32>
    %mul3A = vector.broadcast %div3A_6 : vector<1000x1xf32> to vector<1000x128xf32>
    %mul3A_18 = arith.mulf %add3A_17, %mul3A : vector<1000x128xf32>
    %get3A_19 = arith.constant 0 : index
    %get3A_20 = arith.constant 0 : index
    %get3A_21 = vector.load %arg4[%get3A_19, %get3A_20] : memref<128x128xf32, #tpu.memory_space<vmem>>, vector<128x128xf32>
    %dot_general3A = arith.constant dense<0.000000e+00> : vector<1000x128xf32>
    %dot_general3A_22 = tpu.matmul %mul3A_18, %get3A_21, %dot_general3A {dimension_numbers = #tpu.dot_dimension_numbers<[1], [0], [0], [1], [0, 0, 1, 1], [], []>, transpose_lhs_hint = false} : vector<1000x128xf32>, vector<128x128xf32>, vector<1000x128xf32> -> vector<1000x128xf32>
    %get3A_23 = arith.constant 0 : index
    %get3A_24 = arith.constant 0 : index
    %get3A_25 = vector.load %arg3[%get3A_23, %get3A_24] : memref<1000x128xf32, #tpu.memory_space<vmem>>, vector<1000x128xf32>
    %add3A_26 = arith.addf %dot_general3A_22, %get3A_25 : vector<1000x128xf32>
    %max3A_27 = arith.constant 0.000000e+00 : f32
    %max3A_28 = vector.broadcast %max3A_27 : f32 to vector<1000x128xf32>
    %max3A_29 = arith.maximumf %add3A_26, %max3A_28 : vector<1000x128xf32>
    %get3A_30 = arith.constant 0 : index
    %get3A_31 = arith.constant 0 : index
    %get3A_32 = vector.load %arg5[%get3A_30, %get3A_31] : memref<128x128xf32, #tpu.memory_space<vmem>>, vector<128x128xf32>
    %dot_general3A_33 = arith.constant dense<0.000000e+00> : vector<1000x128xf32>
    %dot_general3A_34 = tpu.matmul %max3A_29, %get3A_32, %dot_general3A_33 {dimension_numbers = #tpu.dot_dimension_numbers<[1], [0], [0], [1], [0, 0, 1, 1], [], []>, transpose_lhs_hint = false} : vector<1000x128xf32>, vector<128x128xf32>, vector<1000x128xf32> -> vector<1000x128xf32>
    %get3A_35 = arith.constant 0 : index
    %get3A_36 = arith.constant 0 : index
    %get3A_37 = vector.load %arg6[%get3A_35, %get3A_36] : memref<1x128xf32, #tpu.memory_space<vmem>>, vector<1x128xf32>
    %add3A_38 = vector.broadcast %get3A_37 : vector<1x128xf32> to vector<1000x128xf32>
    %add3A_39 = arith.addf %dot_general3A_34, %add3A_38 : vector<1000x128xf32>
    %swap3A = arith.constant 0 : index
    %swap3A_40 = arith.constant 0 : index
    %swap3A_41 = vector.load %arg7[%swap3A, %swap3A_40] : memref<1000x128xf32, #tpu.memory_space<vmem>>, vector<1000x128xf32>
    tpu.vector_store %arg7[%swap3A, %swap3A_40], %add3A_39 {strides = array<i32>} : memref<1000x128xf32, #tpu.memory_space<vmem>>, vector<1000x128xf32>,
    return
  }
  func.func @transform_0(%arg0: i32) -> (i32, i32, i32) {
    %c0_i32 = arith.constant 0 : i32
    %c0_i32_0 = arith.constant 0 : i32
    %c0_i32_1 = arith.constant 0 : i32
    return %c0_i32, %arg0, %c0_i32_0 : i32, i32, i32
  }
  func.func @transform_1(%arg0: i32) -> (i32, i32) {
    %c0_i32 = arith.constant 0 : i32
    %c0_i32_0 = arith.constant 0 : i32
    return %arg0, %c0_i32 : i32, i32
  }
  func.func @transform_2(%arg0: i32) -> (i32, i32) {
    %c0_i32 = arith.constant 0 : i32
    %c0_i32_0 = arith.constant 0 : i32
    return %arg0, %c0_i32 : i32, i32
  }
  func.func @transform_3(%arg0: i32) -> (i32, i32) {
    %c0_i32 = arith.constant 0 : i32
    %c0_i32_0 = arith.constant 0 : i32
    %c0_i32_1 = arith.constant 0 : i32
    return %c0_i32, %c0_i32_0 : i32, i32
  }
  func.func @transform_4(%arg0: i32) -> (i32, i32) {
    %c0_i32 = arith.constant 0 : i32
    %c0_i32_0 = arith.constant 0 : i32
    %c0_i32_1 = arith.constant 0 : i32
    return %c0_i32, %c0_i32_0 : i32, i32
  }
  func.func @transform_5(%arg0: i32) -> (i32, i32) {
    %c0_i32 = arith.constant 0 : i32
    %c0_i32_0 = arith.constant 0 : i32
    %c0_i32_1 = arith.constant 0 : i32
    return %c0_i32, %c0_i32_0 : i32, i32
  }
  func.func @transform_6(%arg0: i32) -> (i32, i32) {
    %c0_i32 = arith.constant 0 : i32
    %c0_i32_0 = arith.constant 0 : i32
    return %arg0, %c0_i32 : i32, i32
  }
}

</mosaic_0001>

<sc_bundles>
// kernel: kernel.11.cloned.1.call-start
scs
__scs_entry_jumppad:
0x0: {  	(pc) =	sbr.rel $0x88, $3  }
0x1: {  	(tag) =	ssettag $0x0;
	lr =	simm.s32 $0x1  }
0x2: {  	[smem:$0x3F97] =	sst lr;
	_ =	strace $0xD0000000  }
0x3: {  	_ = 	snop  }
0x4: {  	_ = 	snop  }
0x5: {  	_ = 	snop  }
0x6: {  	_ = 	snop  }
0x7: {  	_ = 	snop  }
__scs_overlays_trampoline_lowered:
0x8: {  	[smem:$0x3FA6] =	sst s0  }
0x9: {  	[smem:$0x3FA7] =	sst s1  }
0xa: {  	[smem:$0x3FA8] =	sst s2  }
0xb: {  	[smem:$0x3FA9] =	sst s3  }
0xc: {  	[smem:$0x3FAA] =	sst s4  }
0xd: {  	[smem:$0x3FAB] =	sst s5  }
0xe: {  	[smem:$0x3FAC] =	sst s6  }
0xf: {  	[smem:$0x3FAD] =	sst s7  }
0x10: {  	[smem:$0x3FAE] =	sst s8  }
0x11: {  	[smem:$0x3FAF] =	sst s9;
	s0 =	simm.s32 @!p0 $0x0  }
0x12: {  	s1 =	sld [smem:$0x3F95];
	s0 =	simm.s32 @p0 $0x1  }
0x13: {  	[smem:$0x3FB0] =	sst s0;
	s0 =	simm.s32 @!p1 $0x0  }
0x14: {  	s2 =	sld [smem:$0x3F94];
	s0 =	simm.s32 @p1 $0x1  }
0x15: {  	[smem:$0x3FB1] =	sst s0;
	s0 =	simm.s32 @!p2 $0x0  }
0x16: {  	s3 =	sld [smem:$0x3FDB];
	s0 =	simm.s32 @p2 $0x1  }
0x17: {  	s4 =	simm.s32 $0x1BF5;
	[smem:$0x3FB3] =	sst s0  }
0x18: {  	s0 =	sld [smem:$0x3F96];
	_ =	swait.ge [sflag:s4], $0x0  }
0x19: {  	s7 =	sld [smem:$0x3F97]  }
0x1a: {  	s8 =	sadd.s32 $0xFFFFE003, lr  }
0x1b: {  	s9 =	sadd.s32 $0xFFFFFEF7, lr;
	s5 =	simm.s32 $0xFFFFFFFF;
	p2 =	slt.u32 s8, $0xFFFFF086  }
0x1c: {  	p1 =	slt.u32 s9, $0xF7A;
	s5 =	simm.s32 @!p2 $0x0  }
0x1d: {  	s5 =	simm.s32 @p1 $0x1;
	p0 =	seq.s32 s7, s2  }
0x1e: {  	s7 =	smul.u32 @!p0 $0xF7A, s2;
	p2 =	seq.s32 @!p0 s5, $0x0  }
0x1f: {  	s9 =	smul.u32 $0xF7A, s1;
	s8 =	simm.s32 @!p0 $0x1BF5;
	p2 =	por !p2, p0  }
0x20: {  	[sflag:s8] =	ssyncset.s32 @!p0 $0xFFFFF086;
	s6 =	sadd.s32 @!p0 s3, s7;
	s7 =	simm.s32 @!p0 $0x108  }
0x21: {  	s3 =	sadd.s32 s3, s9;
	s6 =	sadd.s32 @!p0 $0x88, s6;
	s7 =	simm.s32 @p2 $0x1082  }
0x22: {  	[simem:s7], [sflag:s8] =	dma.local @!p0 [hbm:s6], $0xF7A  }
0x23: {  	s9 =	sor.u32 $0xD0000000, s2;
	s6 =	simm.s32 $0x108;
	_ =	swait.ge @!p0 [sflag:s8], $0x0  }
0x24: {  	s3 =	sadd.s32 $0x88, s3;
	s6 =	simm.s32 @!p1 $0x1082;
	[sflag:s4] =	ssyncset.s32 $0xFFFFF086  }
0x25: {  	[simem:s6], [sflag:s4] =	dma.local [hbm:s3], $0xF7A  }
0x26: {  	[smem:$0x3F97] =	sst s1;
	(tag) =	ssettag s2;
	_ =	strace s9  }
0x27: {  	s1 =	sld [smem:$0x3FA7]  }
0x28: {  	s2 =	sld [smem:$0x3FA8]  }
0x29: {  	s4 =	sld [smem:$0x3FAA]  }
0x2a: {  	p0 =	seq.s32 s5, $0x0;
	s5 =	sld [smem:$0x3FAB]  }
0x2b: {  	s6 =	sld [smem:$0x3FAC]  }
0x2c: {  	s7 =	sld [smem:$0x3FAD]  }
0x2d: {  	s3 =	simm.s32 $0x108;
	s8 =	sld [smem:$0x3FAE]  }
0x2e: {  	s3 =	simm.s32 @!p0 $0x1082;
	s9 =	sld [smem:$0x3FAF]  }
0x2f: {  	lr =	sadd.s32 s0, s3;
	s0 =	sld [smem:$0x3FA6]  }
0x30: {  	s3 =	sld [smem:$0x3FA9]  }
0x31: {  	[smem:$0x3FB2] =	sst s10  }
0x32: {  	s10 =	sld [smem:$0x3FB0];
	_ =	sdelay $0x3  }
0x33: {  	p0 =	seq.s32 s10, $0x1;
	s10 =	sld [smem:$0x3FB2];
	_ =	sdelay $0x3  }
0x34: {  	[smem:$0x3FB2] =	sst s10  }
0x35: {  	s10 =	sld [smem:$0x3FB1];
	_ =	sdelay $0x3  }
0x36: {  	p1 =	seq.s32 s10, $0x1;
	s10 =	sld [smem:$0x3FB2];
	_ =	sdelay $0x3  }
0x37: {  	[smem:$0x3FB2] =	sst s10  }
0x38: {  	s10 =	sld [smem:$0x3FB3]  }
0x39: {  	_ = 	snop;
	(pc) =	sbr.ind lr, $3  }
0x3a: {  	_ = 	snop  }
0x3b: {  	_ = 	snop  }
0x3c: {  	p2 =	seq.s32 s10, $0x1;
	s10 =	sld [smem:$0x3FB2]  }
0x3d: {  	_ =	shalt  }
0x3e: {  	_ =	shalt  }
0x3f: {  	_ =	shalt  }
0x40: {  	_ =	shalt  }
0x41: {  	_ =	shalt  }
0x42: {  	_ =	shalt  }
0x43: {  	_ =	shalt  }
0x44: {  	_ =	shalt  }
0x45: {  	_ =	shalt  }
0x46: {  	_ =	shalt  }
0x47: {  	_ =	shalt  }
0x48: {  	_ =	shalt  }
0x49: {  	_ =	shalt  }
0x4a: {  	_ =	shalt  }
0x4b: {  	_ =	shalt  }
0x4c: {  	_ =	shalt  }
0x4d: {  	_ =	shalt  }
0x4e: {  	_ =	shalt  }
0x4f: {  	_ =	shalt  }
0x50: {  	_ =	shalt  }
0x51: {  	_ =	shalt  }
0x52: {  	_ =	shalt  }
0x53: {  	_ =	shalt  }
0x54: {  	_ =	shalt  }
0x55: {  	_ =	shalt  }
0x56: {  	_ =	shalt  }
0x57: {  	_ =	shalt  }
0x58: {  	_ =	shalt  }
0x59: {  	_ =	shalt  }
0x5a: {  	_ =	shalt  }
0x5b: {  	_ =	shalt  }
0x5c: {  	_ =	shalt  }
0x5d: {  	_ =	shalt  }
0x5e: {  	_ =	shalt  }
0x5f: {  	_ =	shalt  }
0x60: {  	_ =	shalt  }
0x61: {  	_ =	shalt  }
0x62: {  	_ =	shalt  }
0x63: {  	_ =	shalt  }
0x64: {  	_ =	shalt  }
0x65: {  	_ =	shalt  }
0x66: {  	_ =	shalt  }
0x67: {  	_ =	shalt  }
0x68: {  	_ =	shalt  }
0x69: {  	_ =	shalt  }
0x6a: {  	_ =	shalt  }
0x6b: {  	_ =	shalt  }
0x6c: {  	_ =	shalt  }
0x6d: {  	_ =	shalt  }
0x6e: {  	_ =	shalt  }
0x6f: {  	_ =	shalt  }
0x70: {  	_ =	shalt  }
0x71: {  	_ =	shalt  }
0x72: {  	_ =	shalt  }
0x73: {  	_ =	shalt  }
0x74: {  	_ =	shalt  }
0x75: {  	_ =	shalt  }
0x76: {  	_ =	shalt  }
0x77: {  	_ =	shalt  }
0x78: {  	_ =	shalt  }
0x79: {  	_ =	shalt  }
0x7a: {  	_ =	shalt  }
0x7b: {  	_ =	shalt  }
0x7c: {  	_ =	shalt  }
0x7d: {  	_ =	shalt  }
0x7e: {  	_ =	shalt  }
0x7f: {  	_ =	shalt  }
0x80: {  	_ =	shalt  }
0x81: {  	_ =	shalt  }
0x82: {  	_ =	shalt  }
0x83: {  	_ =	shalt  }
0x84: {  	_ =	shalt  }
0x85: {  	_ =	shalt  }
0x86: {  	_ =	shalt  }
0x87: {  	_ =	shalt  }
.Lfunc_end0:
.L_simem_size_0:
called_computation.1_lowered:
.L_overlay_start_0:
0x88: {  	s2 =	sld [smem:$0x3FD9]  }
0x89: {  	s3 =	sld [smem:$0x3FFE];
	_ =	sdelay $0x1  }
0x8a: {  	s1 =	srdreg.scid  }
0x8b: {  	s0 =	sand.u32 $0x1, s1  }
0x8c: {  	s16 =	sshll.u32 s0, $0xA;
	s2 =	sadd.s32 s3, s2  }
0x8d: {  	s2 =	sadd.s32 s2, s16  }
0x8e: {  	[smem:$0x3FBE] =	sst s2  }
0x8f: {  	_ = 	snop  }
0x90: {  	(tm) =	ssettm $0x1  }
0x91: {  	s17 =	sld [smem:$0x3FFB];
	_ =	sdelay $0x3  }
0x92: {  	_ =	strace s17  }
0x93: {  	s2 =	sld [smem:$0x3FFC];
	_ =	sdelay $0x3  }
0x94: {  	_ =	strace s2  }
0x95: {  	s2 =	sld [smem:$0x3FFD];
	_ =	sdelay $0x3  }
0x96: {  	_ =	strace s2  }
0x97: {  	_ =	strace $0x8FFFFFFF  }
0x98: {  	s18 =	sld [smem:$0x3FDB];
	_ =	sdelay $0x1  }
0x99: {  	s19 =	simm.s32 $_scs_section_size  }
0x9a: {  	s4 =	simm.s32 $_size__tile_overlayer_lowered;
	s5 =	simm.s32 $_tile_overlayer_lowered  }
0x9b: {  	s22 =	simm.s32 $0x1BFF;
	s21 =	sshll.u32 s5, $0x1;
	s2 =	sadd.s32 s19, s18  }
0x9c: {  	s6 =	simm.s32 $0x0;
	s20 =	sshll.u32 s4, $0x1;
	s4 =	sadd.s32 s21, s2  }
0x9d: {  	[timem:s6], [sflag:s22] =	dma.local [hbm:s4], s20  }
0x9e: {  	_ =	swait.ge [sflag:s22], s20  }
0x9f: {  	s3 =	ssub.s32 $0x0, s20;
	[sflag:s22] =	ssyncset.done $0x0  }
0xa0: {  	[sflag:s22] =	ssyncadd.s32 s3;
	_ =	sdelay $0x1  }
0xa1: {  	s23 =	simm.s32 $0x1B8B  }
0xa2: {  	_ =	swait.ge [sflag:s23], $0x1  }
0xa3: {  	[sflag:s23] =	ssyncset.done $0x0  }
0xa4: {  	s25 =	simm.s32 $0x1B8E;
	s24 =	sld [smem:$0x3FFE];
	[sflag:s23] =	ssyncadd.s32 $0xFFFFFFFF  }
0xa5: {  	s26 =	simm.s32 $execute0_lowered;
	[smem:$0x3FD2] =	sst s25  }
0xa6: {  	s4 =	sshll.u32 s26, $0x1;
	_ =	strace $0x80000049;
	[dreg:$0x1] =	wrdreg $0xFFFFFFFF  }
0xa7: {  	s28 =	simm.s32 $_size_execute0_lowered;
	s2 =	sadd.s32 s2, s4;
	[dreg:$0x0] =	wrdreg $0x0  }
0xa8: {  	s4 =	sshll.u32 s28, $0x1;
	[dreg:$0x2] =	wrdreg s2  }
0xa9: {  	[dreg:$0x3] =	wrdreg s4  }
0xaa: {  	[dreg:$0x4] =	wrdreg $0xC0  }
0xab: {  	_ =	task [dreg:s6], $0x5FFFF  }
0xac: {  	[dreg:$0x1] =	wrdreg $0xFFFFFFFF  }
0xad: {  	[dreg:$0x0] =	wrdreg $0x60  }
0xae: {  	[dreg:$0x2] =	wrdreg s24  }
0xaf: {  	[dreg:$0x3] =	wrdreg $0x88000  }
0xb0: {  	[dreg:$0x4] =	wrdreg $0x9  }
0xb1: {  	_ =	task.clear_ibuf [dreg:s6], $0x5FFFF;
	_ =	strace $0x90000049  }
0xb2: {  	s29 =	simm.s32 $0x9;
	_ =	strace $0x8000004B  }
0xb3: {  	_ =	swait.ge [sflag:s29], $0x1  }
0xb4: {  	[sflag:s29] =	ssyncadd.s32 $0xFFFFFFFF  }
0xb5: {  	_ =	strace $0x9000004B  }
0xb6: {  	_ =	sfence  }
0xb7: {  	s30 =	sld [smem:$0x0];
	_ =	sdelay $0x2  }
0xb8: {  	s31 =	sshll.u32 s1, $0xD;
	s1 =	sshrl.u32 s1, $0x2  }
0xb9: {  	s3 =	sand.u32 $0x4000, s31;
	s1 =	sadd.s32 s1, s30  }
0xba: {  	s0 =	sor.u32 s3, s0;
	s1 =	sshll.u32 s1, $0x11  }
0xbb: {  	s0 =	sor.u32 s1, s0  }
0xbc: {  	s0 =	sadd.s32 $0x8F2B, s0  }
0xbd: {  	[sflag:s0] =	ssyncadd.remote.s32 $0x1  }
0xbe: {  	_ =	sfence.sel $0xFFFF  }
0xbf: {  	[dreg:$0x0] =	wrdreg $0xFFFFFFFF;
	(pc) =	sbr.abs _section_cstart, $3  }
0xc0: {  	[dreg:$0x1] =	wrdreg $0xFFFFFFFF  }
0xc1: {  	_ =	task.clear_ibuf [dreg:s6], $0x2FFFF;
	_ =	strace $0x9FFFFFFF  }
0xc2: {  	(tm) =	ssettm $0x7FFFFFFF  }
0xc3: {  	_ =	shalt  }
tec
execute0_lowered:
.L_overlay_start_1:
0x0: {  	(tag) =	ssettag $0x1  }
0x1: {  	s5 =	rddreg [dreg:$0x0]  }
0x2: {  	s2 =	rddreg [dreg:$0x1]  }
0x3: {  	s0 =	rddreg [dreg:$0x2]  }
0x4: {  	s3 =	simm.s32 $0x0;
	s1 =	stileid.u32;
	s4 =	srdreg.scid  }
0x5: {  	s16 =	simm.s32 $0x1;
	s17 =	simm.s32 $0x3;
	s18 =	simm.s32 $0x2  }
0x6: {  	s19 =	simm.s32 $0x0;
	[smem:$0x7FF] =	sst s3;
	s6 =	smul.u32 $0x14000, s1  }
0x7: {  	s7 =	sand.u32 $0x1, s4;
	s4 =	sadd.s32 $0x3DA00, s5;
	s11 =	smul.u32 $0x50000, s1  }
0x8: {  	s9 =	sadd.s32 $0x1A00, s5;
	s26 =	sshll.u32 s1, $0x1;
	s13 =	smul.u32 $0x1400, s1  }
0x9: {  	s30 =	sshll.u32 s1, $0x6;
	_ =	strace $0x8000004A;
	s8 =	smul.u32 $0x140000, s7  }
0xa: {  	s28 =	ssub.s32 $0x2, s7;
	s15 =	smul.u32 $0xA00, s7;
	s10 =	sshrl.u32 s6, $0x3  }
0xb: {  	s29 =	sshrl.u32 s28, $0x1;
	s11 =	sshrl.u32 s11, $0x2;
	s31 =	sadd.s32 s13, s9  }
0xc: {  	s13 =	simm.s32 $0x7D;
	s6 =	sadd.s32 s6, s8;
	s8 =	sor.u32 s7, s26  }
0xd: {  	s10 =	sadd.s32 s10, s5;
	s14 =	ssub.s32 s28, s29;
	s8 =	smul.u32 $0xA00, s8  }
.Ltmp0:
0xe: {  	s11 =	sadd.s32 s11, s2;
	s6 =	sshrl.u32 s6, $0x3;
	(pc) =	sbr.rel .LBB2_1-.Ltmp0, $4  }
0xf: {  	s11 =	sshrl.u32 s11, $0x3;
	s12 =	sadd.s32 s6, s5;
	s5 =	sadd.s32 $0x15A00, s10  }
0x10: {  	s6 =	sor.u32 $0x1C04, s30;
	s10 =	sadd.s32 s15, s31;
	s15 =	simm.s32 $0x4800  }
0x11: {  	s7 =	sadd.s32 s9, s8;
	s8 =	sadd.s32 $0x64C00, s12;
	s9 =	smax.u32 s14, $0x1  }
0x12: {  	s10 =	sadd.s32 $0x80, s10;
	s12 =	simm.s32 $0x4;
	s14 =	simm.s32 $0x800  }
.LBB2_4:
0x13: {  	s19 =	sadd.s32 $0x1, s19  }
0x14: {  	p0 =	sne.s32 s19, s9  }
.Ltmp1:
0x15: {  	[bflag:$0x0] =	sbarrier.arrive $0xFFFF;
	(pc) =	sbr.rel @!p0 .LBB2_5-.Ltmp1, $4  }
0x16: {  	[hbm:s8], [sflag:s6] =	dma.local [spmem:s11], $0x2800  }
0x17: {  	_ =	swait.ge [sflag:s12], $0x2800  }
0x18: {  	[sflag:s12] =	ssyncset.done $0x0  }
0x19: {  	[sflag:s12] =	ssyncadd.s32 $0xFFFFD800  }
.LBB2_1:
0x1a: {  	[spmem:s11], [sflag:s6] =	dma.local [hbm:s5], $0x2800  }
0x1b: {  	_ =	swait.ge [sflag:s12], $0x2800  }
0x1c: {  	[sflag:s12] =	ssyncset.done $0x0  }
0x1d: {  	[sflag:s12] =	ssyncadd.s32 $0xFFFFD800  }
0x1e: {  	[tilespmem:s3], [sflag:$0x4] =	stream.linear.gather [hbm4b:s7+s3], $0x400, $0x38;
	[tilespmem:$0x1C800] =	vst v63  }
0x1f: {  	_ =	swait.ge [sflag:s12], $0x400  }
0x20: {  	[sflag:s12] =	ssyncset.done $0x0  }
0x21: {  	[sflag:s12] =	ssyncadd.s32 $0xFFFFFC00  }
0x22: {  	s20 =	smov.u32 s10;
	s21 =	simm.s32 $0x0;
	[bflag:$0x0] =	sbarrier.arrive $0xFFFF  }
.LBB2_2:
0x23: {  	s22 =	sand.u32 $0x1, s21;
	p0 =	seq.s32 s21, $0x13  }
0x24: {  	s23 =	sshll.u32 @!p0 s22, $0xA  }
0x25: {  	s24 =	simm.s32 @!p0 $0x0;
	s23 =	sxor.u32 @!p0 $0x400, s23  }
0x26: {  	[tilespmem:s23], [sflag:$0x2] =	stream.linear.gather @!p0 [hbm4b:s20+s24], $0x400, $0x38;
	[tilespmem:$0x1C800] =	vst v63  }
0x27: {  	s22 =	sshll.u32 s22, $0xA  }
0x28: {  	[tilespmem:s14], [sflag:$0x1] =	stream.indirect.gather [hbm4b:s4+s13], $0x80, s22, s13, $0xb8;
	[tilespmem:$0x1C800] =	vst v63  }
0x29: {  	s25 =	sor.u32 $0x100, s22  }
0x2a: {  	[tilespmem:s15], [sflag:$0x1] =	stream.indirect.gather [hbm4b:s4+s13], $0x80, s25, s13, $0xb8;
	[tilespmem:$0x1C800] =	vst v63  }
0x2b: {  	_ =	swait.ge [sflag:s16], $0x3E80  }
0x2c: {  	[sflag:s16] =	ssyncset.done $0x0  }
0x2d: {  	s26 =	sor.u32 $0x80, s22;
	[sflag:s16] =	ssyncadd.s32 $0xFFFFC180  }
0x2e: {  	[spmem:s2] =	stream.indirect.scatter.add.f32 [tilespmem:s14], [sflag:$0x3], $0x80, s26, s13, $0xb8;
	[tilespmem:$0x1C800] =	vst v63  }
0x2f: {  	_ =	swait.ge [sflag:s17], $0x3E80  }
0x30: {  	[sflag:s17] =	ssyncset.done $0x0  }
0x31: {  	s28 =	sor.u32 $0x200, s22;
	[sflag:s17] =	ssyncadd.s32 $0xFFFFC180  }
0x32: {  	[tilespmem:s14], [sflag:$0x1] =	stream.indirect.gather [hbm4b:s4+s13], $0x80, s28, s13, $0xb8;
	[tilespmem:$0x1C800] =	vst v63  }
0x33: {  	_ =	swait.ge [sflag:s16], $0x3E80  }
0x34: {  	[sflag:s16] =	ssyncset.done $0x0  }
0x35: {  	s29 =	sor.u32 $0x180, s22;
	[sflag:s16] =	ssyncadd.s32 $0xFFFFC180  }
0x36: {  	[spmem:s2] =	stream.indirect.scatter.add.f32 [tilespmem:s15], [sflag:$0x3], $0x80, s29, s13, $0xb8;
	[tilespmem:$0x1C800] =	vst v63  }
0x37: {  	_ =	swait.ge [sflag:s17], $0x3E80  }
0x38: {  	[sflag:s17] =	ssyncset.done $0x0  }
0x39: {  	s30 =	sor.u32 $0x300, s22;
	[sflag:s17] =	ssyncadd.s32 $0xFFFFC180  }
0x3a: {  	[tilespmem:s15], [sflag:$0x1] =	stream.indirect.gather [hbm4b:s4+s13], $0x80, s30, s13, $0xb8;
	[tilespmem:$0x1C800] =	vst v63  }
0x3b: {  	_ =	swait.ge [sflag:s16], $0x3E80  }
0x3c: {  	[sflag:s16] =	ssyncset.done $0x0  }
0x3d: {  	s31 =	sor.u32 $0x280, s22;
	[sflag:s16] =	ssyncadd.s32 $0xFFFFC180  }
0x3e: {  	[spmem:s2] =	stream.indirect.scatter.add.f32 [tilespmem:s14], [sflag:$0x3], $0x80, s31, s13, $0xb8;
	[tilespmem:$0x1C800] =	vst v63  }
0x3f: {  	_ =	swait.ge [sflag:s16], $0x3E80  }
0x40: {  	[sflag:s16] =	ssyncset.done $0x0  }
0x41: {  	s22 =	sor.u32 $0x380, s22;
	[sflag:s16] =	ssyncadd.s32 $0xFFFFC180  }
0x42: {  	[spmem:s2] =	stream.indirect.scatter.add.f32 [tilespmem:s15], [sflag:$0x3], $0x80, s22, s13, $0xb8;
	[tilespmem:$0x1C800] =	vst v63  }
0x43: {  	_ =	swait.ge [sflag:s17], $0x3E80  }
.Ltmp2:
0x44: {  	[sflag:s17] =	ssyncset.done $0x0;
	(pc) =	sbr.rel @p0 .LBB2_4-.Ltmp2, $4  }
0x45: {  	[sflag:s17] =	ssyncadd.s32 $0xFFFFC180  }
0x46: {  	_ =	swait.ge [sflag:s17], $0x3E80  }
0x47: {  	[sflag:s17] =	ssyncset.done $0x0  }
0x48: {  	[sflag:s17] =	ssyncadd.s32 $0xFFFFC180  }
.Ltmp3:
0x49: {  	(pc) =	sbr.rel .LBB2_2-.Ltmp3, $4  }
0x4a: {  	_ = 	snop  }
0x4b: {  	_ =	swait.ge [sflag:s18], $0x400  }
0x4c: {  	[sflag:s18] =	ssyncset.done $0x0  }
0x4d: {  	s21 =	sadd.s32 $0x1, s21;
	s20 =	sadd.s32 $0x80, s20;
	[sflag:s18] =	ssyncadd.s32 $0xFFFFFC00  }
.LBB2_5:
0x4e: {  	_ =	sfence.sel $0x180000  }
0x4f: {  	[bflag:$0x0] =	sbarrier.arrive $0xFFFF  }
0x50: {  	p0 =	sne.s32 s1, $0x0;
	_ =	strace $0x9000004A  }
0x51: {  	s0 =	sadd.s32 @!p0 $0x100000, s0;
	[bflag:$0x2] =	sbarrier.arrive $0xFFFF  }
0x52: {  	[sflag:s0] =	ssyncadd.tile.s32 @!p0 $0x1;
	_ =	shalt  }
.Lfunc_end2:
_tile_overlayer_lowered:
.L_overlay_start_2:
0x53: {  	(tag) =	ssettag $0x2  }
0x54: {  	s0 =	rddreg [dreg:$0x0];
	s2 =	stileid.u32  }
0x55: {  	s1 =	rddreg [dreg:$0x1];
	p0 =	sne.s32 s2, $0x0  }
0x56: {  	s3 =	rddreg [dreg:$0x2];
	[bflag:$0x3] =	sbarrier.arrive $0xFFFF;
	s2 =	simm.s32 @!p0 $0x1C04  }
0x57: {  	[timem:s3], [sflag:s2] =	dma.local @!p0 [hbm:s0], s1  }
0x58: {  	s0 =	simm.s32 @!p0 $0x4  }
0x59: {  	_ =	swait.ge @!p0 [sflag:s0], s1  }
0x5a: {  	s1 =	ssub.s32 @!p0 $0x0, s1;
	[sflag:s0] =	ssyncset.done @!p0 $0x0  }
0x5b: {  	[sflag:s0] =	ssyncadd.s32 @!p0 s1  }
0x5c: {  	[bflag:$0x3] =	sbarrier.arrive $0xFFFF  }
0x5d: {  	_ =	shalt  }

// kernel: kernel.8.cloned.1.call-start
scs
__scs_entry_jumppad:
0x0: {  	(pc) =	sbr.rel $0x88, $3  }
0x1: {  	(tag) =	ssettag $0x0;
	lr =	simm.s32 $0x1  }
0x2: {  	[smem:$0x3F97] =	sst lr;
	_ =	strace $0xD0000000  }
0x3: {  	_ = 	snop  }
0x4: {  	_ = 	snop  }
0x5: {  	_ = 	snop  }
0x6: {  	_ = 	snop  }
0x7: {  	_ = 	snop  }
__scs_overlays_trampoline_lowered:
0x8: {  	[smem:$0x3FA6] =	sst s0  }
0x9: {  	[smem:$0x3FA7] =	sst s1  }
0xa: {  	[smem:$0x3FA8] =	sst s2  }
0xb: {  	[smem:$0x3FA9] =	sst s3  }
0xc: {  	[smem:$0x3FAA] =	sst s4  }
0xd: {  	[smem:$0x3FAB] =	sst s5  }
0xe: {  	[smem:$0x3FAC] =	sst s6  }
0xf: {  	[smem:$0x3FAD] =	sst s7  }
0x10: {  	[smem:$0x3FAE] =	sst s8  }
0x11: {  	[smem:$0x3FAF] =	sst s9;
	s0 =	simm.s32 @!p0 $0x0  }
0x12: {  	s1 =	sld [smem:$0x3F95];
	s0 =	simm.s32 @p0 $0x1  }
0x13: {  	[smem:$0x3FB0] =	sst s0;
	s0 =	simm.s32 @!p1 $0x0  }
0x14: {  	s2 =	sld [smem:$0x3F94];
	s0 =	simm.s32 @p1 $0x1  }
0x15: {  	[smem:$0x3FB1] =	sst s0;
	s0 =	simm.s32 @!p2 $0x0  }
0x16: {  	s3 =	sld [smem:$0x3FDB];
	s0 =	simm.s32 @p2 $0x1  }
0x17: {  	s4 =	simm.s32 $0x1BF5;
	[smem:$0x3FB3] =	sst s0  }
0x18: {  	s0 =	sld [smem:$0x3F96];
	_ =	swait.ge [sflag:s4], $0x0  }
0x19: {  	s7 =	sld [smem:$0x3F97]  }
0x1a: {  	s8 =	sadd.s32 $0xFFFFE003, lr  }
0x1b: {  	s9 =	sadd.s32 $0xFFFFFEF7, lr;
	s5 =	simm.s32 $0xFFFFFFFF;
	p2 =	slt.u32 s8, $0xFFFFF086  }
0x1c: {  	p1 =	slt.u32 s9, $0xF7A;
	s5 =	simm.s32 @!p2 $0x0  }
0x1d: {  	s5 =	simm.s32 @p1 $0x1;
	p0 =	seq.s32 s7, s2  }
0x1e: {  	s7 =	smul.u32 @!p0 $0xF7A, s2;
	p2 =	seq.s32 @!p0 s5, $0x0  }
0x1f: {  	s9 =	smul.u32 $0xF7A, s1;
	s8 =	simm.s32 @!p0 $0x1BF5;
	p2 =	por !p2, p0  }
0x20: {  	[sflag:s8] =	ssyncset.s32 @!p0 $0xFFFFF086;
	s6 =	sadd.s32 @!p0 s3, s7;
	s7 =	simm.s32 @!p0 $0x108  }
0x21: {  	s3 =	sadd.s32 s3, s9;
	s6 =	sadd.s32 @!p0 $0x88, s6;
	s7 =	simm.s32 @p2 $0x1082  }
0x22: {  	[simem:s7], [sflag:s8] =	dma.local @!p0 [hbm:s6], $0xF7A  }
0x23: {  	s9 =	sor.u32 $0xD0000000, s2;
	s6 =	simm.s32 $0x108;
	_ =	swait.ge @!p0 [sflag:s8], $0x0  }
0x24: {  	s3 =	sadd.s32 $0x88, s3;
	s6 =	simm.s32 @!p1 $0x1082;
	[sflag:s4] =	ssyncset.s32 $0xFFFFF086  }
0x25: {  	[simem:s6], [sflag:s4] =	dma.local [hbm:s3], $0xF7A  }
0x26: {  	[smem:$0x3F97] =	sst s1;
	(tag) =	ssettag s2;
	_ =	strace s9  }
0x27: {  	s1 =	sld [smem:$0x3FA7]  }
0x28: {  	s2 =	sld [smem:$0x3FA8]  }
0x29: {  	s4 =	sld [smem:$0x3FAA]  }
0x2a: {  	p0 =	seq.s32 s5, $0x0;
	s5 =	sld [smem:$0x3FAB]  }
0x2b: {  	s6 =	sld [smem:$0x3FAC]  }
0x2c: {  	s7 =	sld [smem:$0x3FAD]  }
0x2d: {  	s3 =	simm.s32 $0x108;
	s8 =	sld [smem:$0x3FAE]  }
0x2e: {  	s3 =	simm.s32 @!p0 $0x1082;
	s9 =	sld [smem:$0x3FAF]  }
0x2f: {  	lr =	sadd.s32 s0, s3;
	s0 =	sld [smem:$0x3FA6]  }
0x30: {  	s3 =	sld [smem:$0x3FA9]  }
0x31: {  	[smem:$0x3FB2] =	sst s10  }
0x32: {  	s10 =	sld [smem:$0x3FB0];
	_ =	sdelay $0x3  }
0x33: {  	p0 =	seq.s32 s10, $0x1;
	s10 =	sld [smem:$0x3FB2];
	_ =	sdelay $0x3  }
0x34: {  	[smem:$0x3FB2] =	sst s10  }
0x35: {  	s10 =	sld [smem:$0x3FB1];
	_ =	sdelay $0x3  }
0x36: {  	p1 =	seq.s32 s10, $0x1;
	s10 =	sld [smem:$0x3FB2];
	_ =	sdelay $0x3  }
0x37: {  	[smem:$0x3FB2] =	sst s10  }
0x38: {  	s10 =	sld [smem:$0x3FB3]  }
0x39: {  	_ = 	snop;
	(pc) =	sbr.ind lr, $3  }
0x3a: {  	_ = 	snop  }
0x3b: {  	_ = 	snop  }
0x3c: {  	p2 =	seq.s32 s10, $0x1;
	s10 =	sld [smem:$0x3FB2]  }
0x3d: {  	_ =	shalt  }
0x3e: {  	_ =	shalt  }
0x3f: {  	_ =	shalt  }
0x40: {  	_ =	shalt  }
0x41: {  	_ =	shalt  }
0x42: {  	_ =	shalt  }
0x43: {  	_ =	shalt  }
0x44: {  	_ =	shalt  }
0x45: {  	_ =	shalt  }
0x46: {  	_ =	shalt  }
0x47: {  	_ =	shalt  }
0x48: {  	_ =	shalt  }
0x49: {  	_ =	shalt  }
0x4a: {  	_ =	shalt  }
0x4b: {  	_ =	shalt  }
0x4c: {  	_ =	shalt  }
0x4d: {  	_ =	shalt  }
0x4e: {  	_ =	shalt  }
0x4f: {  	_ =	shalt  }
0x50: {  	_ =	shalt  }
0x51: {  	_ =	shalt  }
0x52: {  	_ =	shalt  }
0x53: {  	_ =	shalt  }
0x54: {  	_ =	shalt  }
0x55: {  	_ =	shalt  }
0x56: {  	_ =	shalt  }
0x57: {  	_ =	shalt  }
0x58: {  	_ =	shalt  }
0x59: {  	_ =	shalt  }
0x5a: {  	_ =	shalt  }
0x5b: {  	_ =	shalt  }
0x5c: {  	_ =	shalt  }
0x5d: {  	_ =	shalt  }
0x5e: {  	_ =	shalt  }
0x5f: {  	_ =	shalt  }
0x60: {  	_ =	shalt  }
0x61: {  	_ =	shalt  }
0x62: {  	_ =	shalt  }
0x63: {  	_ =	shalt  }
0x64: {  	_ =	shalt  }
0x65: {  	_ =	shalt  }
0x66: {  	_ =	shalt  }
0x67: {  	_ =	shalt  }
0x68: {  	_ =	shalt  }
0x69: {  	_ =	shalt  }
0x6a: {  	_ =	shalt  }
0x6b: {  	_ =	shalt  }
0x6c: {  	_ =	shalt  }
0x6d: {  	_ =	shalt  }
0x6e: {  	_ =	shalt  }
0x6f: {  	_ =	shalt  }
0x70: {  	_ =	shalt  }
0x71: {  	_ =	shalt  }
0x72: {  	_ =	shalt  }
0x73: {  	_ =	shalt  }
0x74: {  	_ =	shalt  }
0x75: {  	_ =	shalt  }
0x76: {  	_ =	shalt  }
0x77: {  	_ =	shalt  }
0x78: {  	_ =	shalt  }
0x79: {  	_ =	shalt  }
0x7a: {  	_ =	shalt  }
0x7b: {  	_ =	shalt  }
0x7c: {  	_ =	shalt  }
0x7d: {  	_ =	shalt  }
0x7e: {  	_ =	shalt  }
0x7f: {  	_ =	shalt  }
0x80: {  	_ =	shalt  }
0x81: {  	_ =	shalt  }
0x82: {  	_ =	shalt  }
0x83: {  	_ =	shalt  }
0x84: {  	_ =	shalt  }
0x85: {  	_ =	shalt  }
0x86: {  	_ =	shalt  }
0x87: {  	_ =	shalt  }
.Lfunc_end0:
.L_simem_size_0:
called_computation_lowered:
.L_overlay_start_0:
0x88: {  	s2 =	sld [smem:$0x3FD9]  }
0x89: {  	s3 =	sld [smem:$0x3FFE];
	_ =	sdelay $0x1  }
0x8a: {  	s1 =	srdreg.scid  }
0x8b: {  	s0 =	sand.u32 $0x1, s1  }
0x8c: {  	s17 =	sshll.u32 s0, $0xA;
	s2 =	sadd.s32 s3, s2  }
0x8d: {  	s2 =	sadd.s32 s2, s17  }
0x8e: {  	[smem:$0x3FBE] =	sst s2  }
0x8f: {  	_ = 	snop  }
0x90: {  	s2 =	sld [smem:$0x3FC9]  }
0x91: {  	s18 =	sld [smem:$0x3FD0];
	(tm) =	ssettm $0x1  }
0x92: {  	s4 =	sld [smem:$0x3FFB];
	_ =	sdelay $0x3  }
0x93: {  	_ =	strace s4  }
0x94: {  	s4 =	sld [smem:$0x3FFC];
	_ =	sdelay $0x3  }
0x95: {  	_ =	strace s4  }
0x96: {  	s4 =	sld [smem:$0x3FFD];
	_ =	sdelay $0x3  }
0x97: {  	_ =	strace s4  }
0x98: {  	_ =	strace $0x8FFFFFFF  }
0x99: {  	s19 =	sld [smem:$0x3FDB];
	_ =	sdelay $0x1  }
0x9a: {  	s5 =	simm.s32 $_scs_section_size  }
0x9b: {  	s6 =	simm.s32 $_size__tile_overlayer_lowered;
	s7 =	simm.s32 $_tile_overlayer_lowered  }
0x9c: {  	s22 =	simm.s32 $0x1BFF;
	s21 =	sshll.u32 s7, $0x1;
	s4 =	sadd.s32 s5, s19  }
0x9d: {  	s8 =	simm.s32 $0x0;
	s20 =	sshll.u32 s6, $0x1;
	s6 =	sadd.s32 s21, s4  }
0x9e: {  	[timem:s8], [sflag:s22] =	dma.local [hbm:s6], s20  }
0x9f: {  	_ =	swait.ge [sflag:s22], s20  }
0xa0: {  	s5 =	ssub.s32 $0x0, s20;
	[sflag:s22] =	ssyncset.done $0x0  }
0xa1: {  	[sflag:s22] =	ssyncadd.s32 s5;
	_ =	sdelay $0x1  }
0xa2: {  	s23 =	simm.s32 $0x1B8B  }
0xa3: {  	_ =	swait.ge [sflag:s23], $0x1  }
0xa4: {  	[sflag:s23] =	ssyncset.done $0x0  }
0xa5: {  	s25 =	simm.s32 $0x1B8E;
	s24 =	sld [smem:$0x3FFE];
	[sflag:s23] =	ssyncadd.s32 $0xFFFFFFFF  }
0xa6: {  	s26 =	simm.s32 $execute0_lowered;
	[smem:$0x3FD2] =	sst s25  }
0xa7: {  	s6 =	sshll.u32 s26, $0x1;
	_ =	strace $0x80000046;
	[dreg:$0x1] =	wrdreg $0xFFFFFFFF  }
0xa8: {  	s28 =	simm.s32 $_size_execute0_lowered;
	s4 =	sadd.s32 s4, s6;
	[dreg:$0x0] =	wrdreg $0x0  }
0xa9: {  	s6 =	sshll.u32 s28, $0x1;
	[dreg:$0x2] =	wrdreg s4  }
0xaa: {  	[dreg:$0x3] =	wrdreg s6  }
0xab: {  	[dreg:$0x4] =	wrdreg $0xC0  }
0xac: {  	_ =	task [dreg:s8], $0x5FFFF  }
0xad: {  	[dreg:$0x1] =	wrdreg $0xFFFFFFFF  }
0xae: {  	[dreg:$0x0] =	wrdreg $0x60  }
0xaf: {  	[dreg:$0x2] =	wrdreg s2  }
0xb0: {  	[dreg:$0x3] =	wrdreg s24  }
0xb1: {  	[dreg:$0x4] =	wrdreg s18  }
0xb2: {  	[dreg:$0x5] =	wrdreg $0x88000  }
0xb3: {  	[dreg:$0x6] =	wrdreg $0x1C8800  }
0xb4: {  	[dreg:$0x7] =	wrdreg $0x9  }
0xb5: {  	_ =	task.clear_ibuf [dreg:s8], $0x8FFFF;
	_ =	strace $0x90000046  }
0xb6: {  	s29 =	simm.s32 $0x9;
	_ =	strace $0x80000048  }
0xb7: {  	_ =	swait.ge [sflag:s29], $0x1  }
0xb8: {  	[sflag:s29] =	ssyncadd.s32 $0xFFFFFFFF  }
0xb9: {  	_ =	strace $0x90000048  }
0xba: {  	_ =	sfence  }
0xbb: {  	s30 =	sld [smem:$0x0];
	_ =	sdelay $0x2  }
0xbc: {  	s31 =	sshll.u32 s1, $0xD;
	s1 =	sshrl.u32 s1, $0x2  }
0xbd: {  	s3 =	sand.u32 $0x4000, s31;
	s1 =	sadd.s32 s1, s30  }
0xbe: {  	s0 =	sor.u32 s3, s0;
	s1 =	sshll.u32 s1, $0x11  }
0xbf: {  	s0 =	sor.u32 s1, s0  }
0xc0: {  	s0 =	sadd.s32 $0x8F2B, s0  }
0xc1: {  	[sflag:s0] =	ssyncadd.remote.s32 $0x1  }
0xc2: {  	_ =	sfence.sel $0xFFFF  }
0xc3: {  	[dreg:$0x0] =	wrdreg $0xFFFFFFFF;
	(pc) =	sbr.abs _section_cstart, $3  }
0xc4: {  	[dreg:$0x1] =	wrdreg $0xFFFFFFFF  }
0xc5: {  	_ =	task.clear_ibuf [dreg:s8], $0x2FFFF;
	_ =	strace $0x9FFFFFFF  }
0xc6: {  	(tm) =	ssettm $0x7FFFFFFF  }
0xc7: {  	_ =	shalt  }
tec
execute0_lowered:
.L_overlay_start_1:
0x0: {  	(tag) =	ssettag $0x1  }
0x1: {  	s1 =	rddreg [dreg:$0x0]  }
0x2: {  	s6 =	rddreg [dreg:$0x1]  }
0x3: {  	s8 =	rddreg [dreg:$0x2]  }
0x4: {  	s3 =	rddreg [dreg:$0x3];
	s0 =	stileid.u32  }
0x5: {  	s2 =	srdreg.scid;
	s7 =	smul.u32 $0x14000, s0  }
0x6: {  	s4 =	rddreg [dreg:$0x4];
	s5 =	simm.s32 $0x0;
	s11 =	smul.u32 $0x280, s0  }
0x7: {  	s9 =	sand.u32 $0x1, s2;
	s2 =	rddreg [dreg:$0x5];
	s23 =	smul.u32 $0x50000, s0  }
0x8: {  	[smem:$0x7FF] =	sst s5;
	s13 =	sadd.s32 $0x1A00, s6;
	s29 =	smul.u32 $0x1400, s0  }
0x9: {  	s25 =	sshll.u32 s0, $0x1;
	s28 =	sshll.u32 s0, $0x6;
	s10 =	smul.u32 $0x140000, s9  }
0xa: {  	_ =	strace $0x80000047;
	s12 =	smul.u32 $0x2800, s9;
	s24 =	ssub.s32 $0x2, s9  }
0xb: {  	s19 =	smul.u32 $0xA00, s9;
	s14 =	sshrl.u32 s7, $0x3;
	s16 =	sshrl.u32 s24, $0x1  }
0xc: {  	s18 =	sshrl.u32 s11, $0x3;
	s30 =	sadd.s32 s29, s13;
	s7 =	sadd.s32 s7, s10  }
0xd: {  	s20 =	sadd.s32 s14, s6;
	s12 =	sadd.s32 s11, s12;
	s16 =	ssub.s32 s24, s16  }
0xe: {  	s8 =	sadd.s32 s8, s18;
	s31 =	sadd.s32 s19, s30;
	s18 =	simm.s32 $0x800  }
0xf: {  	s19 =	simm.s32 $0x4800;
	s24 =	simm.s32 $0x2;
	s7 =	sshrl.u32 s7, $0x3  }
0x10: {  	s22 =	sshrl.u32 s12, $0x3;
	s12 =	sshrl.u32 s23, $0x2;
	s23 =	simm.s32 $0x4  }
0x11: {  	s21 =	sadd.s32 s7, s6;
	s15 =	sadd.s32 s22, s6;
	s7 =	sor.u32 s9, s25  }
0x12: {  	s17 =	sadd.s32 s12, s3;
	s6 =	sadd.s32 $0x15A00, s20;
	s20 =	sadd.s32 s11, s4  }
0x13: {  	s12 =	smax.u32 s16, $0x1;
	s22 =	simm.s32 $0x3;
	s25 =	simm.s32 $0x0  }
0x14: {  	s26 =	smul.u32 $0xA00, s7;
	s7 =	sor.u32 $0x1C05, s28;
	s10 =	sadd.s32 $0x3E400, s21  }
0x15: {  	s11 =	sadd.s32 $0x3DA00, s15;
	s14 =	sshrl.u32 s17, $0x3;
	s15 =	simm.s32 $0x5  }
0x16: {  	s16 =	sshrl.u32 s20, $0x3;
	s17 =	simm.s32 $0x7D;
	s20 =	simm.s32 $0x1  }
0x17: {  	v0 =	vimm.f32 $1.000000000e+00;
	s21 =	simm.s32 $0x1C800;
	s9 =	sadd.s32 s13, s26;
	s13 =	sadd.s32 $0x80, s31  }
.LBB2_1:
0x18: {  	[spmem:s14], [sflag:s7] =	dma.local [hbm:s6], $0x2800  }
0x19: {  	_ =	swait.ge [sflag:s15], $0x2800  }
0x1a: {  	[sflag:s15] =	ssyncset.done $0x0  }
0x1b: {  	[sflag:s15] =	ssyncadd.s32 $0xFFFFD800  }
0x1c: {  	[spmem:s16], [sflag:s7] =	dma.local [hbm:s8], $0x50  }
0x1d: {  	_ =	swait.ge [sflag:s15], $0x50  }
0x1e: {  	[sflag:s15] =	ssyncset.done $0x0  }
0x1f: {  	[sflag:s15] =	ssyncadd.s32 $0xFFFFFFB0  }
0x20: {  	[tilespmem:$0x1C800] =	vst v0  }
0x21: {  	[tilespmem:$0x1C810] =	vst v0  }
0x22: {  	[tilespmem:$0x1C820] =	vst v0  }
0x23: {  	[tilespmem:$0x1C830] =	vst v0  }
0x24: {  	[tilespmem:$0x1C840] =	vst v0  }
0x25: {  	[tilespmem:$0x1C850] =	vst v0  }
0x26: {  	[tilespmem:$0x1C860] =	vst v0  }
0x27: {  	[tilespmem:$0x1C870] =	vst v0  }
0x28: {  	[tilespmem:s5], [sflag:$0x5] =	stream.linear.gather [hbm4b:s9+s5], $0x400, $0x38;
	[tilespmem:$0x1CB00] =	vst v63  }
0x29: {  	_ =	swait.ge [sflag:s15], $0x400  }
0x2a: {  	[sflag:s15] =	ssyncset.done $0x0  }
0x2b: {  	[sflag:s15] =	ssyncadd.s32 $0xFFFFFC00  }
0x2c: {  	s26 =	smov.u32 s13;
	s28 =	simm.s32 $0x0;
	[bflag:$0x0] =	sbarrier.arrive $0xFFFF  }
.LBB2_2:
0x2d: {  	s29 =	sand.u32 $0x1, s28;
	p0 =	seq.s32 s28, $0x13  }
0x2e: {  	s30 =	sshll.u32 @!p0 s29, $0xA  }
0x2f: {  	s31 =	simm.s32 @!p0 $0x0;
	s30 =	sxor.u32 @!p0 $0x400, s30  }
0x30: {  	[tilespmem:s30], [sflag:$0x2] =	stream.linear.gather @!p0 [hbm4b:s26+s31], $0x400, $0x38;
	[tilespmem:$0x1CB00] =	vst v63  }
0x31: {  	s29 =	sshll.u32 s29, $0xA  }
0x32: {  	[tilespmem:s18], [sflag:$0x1] =	stream.indirect.gather [hbm4b:s1+s17], $0x80, s29, s17, $0xb8;
	[tilespmem:$0x1CB00] =	vst v63  }
0x33: {  	s31 =	sor.u32 $0x100, s29  }
0x34: {  	[tilespmem:s19], [sflag:$0x1] =	stream.indirect.gather [hbm4b:s1+s17], $0x80, s31, s17, $0xb8;
	[tilespmem:$0x1CB00] =	vst v63  }
0x35: {  	_ =	swait.ge [sflag:s20], $0x3E80  }
0x36: {  	[sflag:s20] =	ssyncset.done $0x0  }
0x37: {  	s31 =	sor.u32 $0x80, s29;
	[sflag:s20] =	ssyncadd.s32 $0xFFFFC180  }
0x38: {  	[spmem:s3] =	stream.indirect.scatter.add.f32 [tilespmem:s18], [sflag:$0x3], $0x80, s31, s17, $0xb8;
	[tilespmem:$0x1CB00] =	vst v63  }
0x39: {  	_ = 	snop  }
0x3a: {  	[spmem:s4] =	stream.indirect.scatter.add.f32 [tilespmem:s21], [sflag:$0x4], $0x1, s31, s17, $0xb8;
	[tilespmem:$0x1CB00] =	vst v63  }
0x3b: {  	_ =	swait.ge [sflag:s22], $0x3E80  }
0x3c: {  	[sflag:s22] =	ssyncset.done $0x0  }
0x3d: {  	s31 =	sor.u32 $0x200, s29;
	[sflag:s22] =	ssyncadd.s32 $0xFFFFC180  }
0x3e: {  	[tilespmem:s18], [sflag:$0x1] =	stream.indirect.gather [hbm4b:s1+s17], $0x80, s31, s17, $0xb8;
	[tilespmem:$0x1CB00] =	vst v63  }
0x3f: {  	_ =	swait.ge [sflag:s20], $0x3E80  }
0x40: {  	[sflag:s20] =	ssyncset.done $0x0  }
0x41: {  	s31 =	sor.u32 $0x180, s29;
	[sflag:s20] =	ssyncadd.s32 $0xFFFFC180  }
0x42: {  	[spmem:s3] =	stream.indirect.scatter.add.f32 [tilespmem:s19], [sflag:$0x3], $0x80, s31, s17, $0xb8;
	[tilespmem:$0x1CB00] =	vst v63  }
0x43: {  	_ = 	snop  }
0x44: {  	[spmem:s4] =	stream.indirect.scatter.add.f32 [tilespmem:s21], [sflag:$0x4], $0x1, s31, s17, $0xb8;
	[tilespmem:$0x1CB00] =	vst v63  }
0x45: {  	_ =	swait.ge [sflag:s22], $0x3E80  }
0x46: {  	[sflag:s22] =	ssyncset.done $0x0  }
0x47: {  	s31 =	sor.u32 $0x300, s29;
	[sflag:s22] =	ssyncadd.s32 $0xFFFFC180  }
0x48: {  	[tilespmem:s19], [sflag:$0x1] =	stream.indirect.gather [hbm4b:s1+s17], $0x80, s31, s17, $0xb8;
	[tilespmem:$0x1CB00] =	vst v63  }
0x49: {  	_ =	swait.ge [sflag:s20], $0x3E80  }
0x4a: {  	[sflag:s20] =	ssyncset.done $0x0  }
0x4b: {  	s31 =	sor.u32 $0x280, s29;
	[sflag:s20] =	ssyncadd.s32 $0xFFFFC180  }
0x4c: {  	[spmem:s3] =	stream.indirect.scatter.add.f32 [tilespmem:s18], [sflag:$0x3], $0x80, s31, s17, $0xb8;
	[tilespmem:$0x1CB00] =	vst v63  }
0x4d: {  	_ = 	snop  }
0x4e: {  	[spmem:s4] =	stream.indirect.scatter.add.f32 [tilespmem:s21], [sflag:$0x4], $0x1, s31, s17, $0xb8;
	[tilespmem:$0x1CB00] =	vst v63  }
0x4f: {  	_ =	swait.ge [sflag:s20], $0x3E80  }
0x50: {  	[sflag:s20] =	ssyncset.done $0x0  }
0x51: {  	s29 =	sor.u32 $0x380, s29;
	[sflag:s20] =	ssyncadd.s32 $0xFFFFC180  }
0x52: {  	[spmem:s3] =	stream.indirect.scatter.add.f32 [tilespmem:s19], [sflag:$0x3], $0x80, s29, s17, $0xb8;
	[tilespmem:$0x1CB00] =	vst v63  }
0x53: {  	_ = 	snop  }
0x54: {  	[spmem:s4] =	stream.indirect.scatter.add.f32 [tilespmem:s21], [sflag:$0x4], $0x1, s29, s17, $0xb8;
	[tilespmem:$0x1CB00] =	vst v63  }
0x55: {  	_ =	swait.ge [sflag:s22], $0x3E80  }
.Ltmp0:
0x56: {  	[sflag:s22] =	ssyncset.done $0x0;
	(pc) =	sbr.rel @p0 .LBB2_4-.Ltmp0, $4  }
0x57: {  	[sflag:s22] =	ssyncadd.s32 $0xFFFFC180  }
0x58: {  	_ =	swait.ge [sflag:s22], $0x3E80  }
0x59: {  	[sflag:s22] =	ssyncset.done $0x0  }
0x5a: {  	[sflag:s22] =	ssyncadd.s32 $0xFFFFC180  }
.Ltmp1:
0x5b: {  	(pc) =	sbr.rel .LBB2_2-.Ltmp1, $4  }
0x5c: {  	_ = 	snop  }
0x5d: {  	_ =	swait.ge [sflag:s24], $0x400  }
0x5e: {  	[sflag:s24] =	ssyncset.done $0x0  }
0x5f: {  	s28 =	sadd.s32 $0x1, s28;
	s26 =	sadd.s32 $0x80, s26;
	[sflag:s24] =	ssyncadd.s32 $0xFFFFFC00  }
.LBB2_4:
0x60: {  	_ =	swait.ge [sflag:s23], $0x7D  }
0x61: {  	s26 =	simm.s32 $0x4F;
	[sflag:s23] =	ssyncset.done $0x0  }
.LBB2_5:
0x62: {  	p0 =	sne.s32 s26, $0x1;
	s26 =	sadd.s32 $0xFFFFFFFF, s26;
	[sflag:s23] =	ssyncadd.s32 $0xFFFFFF83  }
.Ltmp2:
0x63: {  	(pc) =	sbr.rel @p0 .LBB2_5-.Ltmp2, $3  }
0x64: {  	_ =	sdelay $0x1  }
0x65: {  	_ =	swait.ge [sflag:s23], $0x7D  }
0x66: {  	[sflag:s23] =	ssyncset.done $0x0  }
0x67: {  	[sflag:s23] =	ssyncadd.s32 $0xFFFFFF83  }
0x68: {  	[bflag:$0x0] =	sbarrier.arrive $0xFFFF  }
0x69: {  	[hbm:s10], [sflag:s7] =	dma.local [spmem:s14], $0x2800  }
0x6a: {  	s25 =	sadd.s32 $0x1, s25;
	_ =	swait.ge [sflag:s15], $0x2800  }
0x6b: {  	p0 =	sne.s32 s25, s12;
	[sflag:s15] =	ssyncset.done $0x0  }
.Ltmp3:
0x6c: {  	[sflag:s15] =	ssyncadd.s32 $0xFFFFD800;
	(pc) =	sbr.rel @p0 .LBB2_1-.Ltmp3, $4  }
0x6d: {  	[hbm:s11], [sflag:s7] =	dma.local [spmem:s16], $0x50  }
0x6e: {  	_ =	swait.ge [sflag:s15], $0x50  }
0x6f: {  	[sflag:s15] =	ssyncset.done $0x0  }
0x70: {  	[sflag:s15] =	ssyncadd.s32 $0xFFFFFFB0  }
0x71: {  	_ =	sfence.sel $0x180000  }
0x72: {  	[bflag:$0x0] =	sbarrier.arrive $0xFFFF  }
0x73: {  	p0 =	sne.s32 s0, $0x0;
	_ =	strace $0x90000047  }
0x74: {  	s0 =	sadd.s32 @!p0 $0x100000, s2;
	[bflag:$0x2] =	sbarrier.arrive $0xFFFF  }
0x75: {  	[sflag:s0] =	ssyncadd.tile.s32 @!p0 $0x1;
	_ =	shalt  }
.Lfunc_end2:
_tile_overlayer_lowered:
.L_overlay_start_2:
0x76: {  	(tag) =	ssettag $0x2  }
0x77: {  	s0 =	rddreg [dreg:$0x0];
	s2 =	stileid.u32  }
0x78: {  	s1 =	rddreg [dreg:$0x1];
	p0 =	sne.s32 s2, $0x0  }
0x79: {  	s3 =	rddreg [dreg:$0x2];
	[bflag:$0x3] =	sbarrier.arrive $0xFFFF;
	s2 =	simm.s32 @!p0 $0x1C05  }
0x7a: {  	[timem:s3], [sflag:s2] =	dma.local @!p0 [hbm:s0], s1  }
0x7b: {  	s0 =	simm.s32 @!p0 $0x5  }
0x7c: {  	_ =	swait.ge @!p0 [sflag:s0], s1  }
0x7d: {  	s1 =	ssub.s32 @!p0 $0x0, s1;
	[sflag:s0] =	ssyncset.done @!p0 $0x0  }
0x7e: {  	[sflag:s0] =	ssyncadd.s32 @!p0 s1  }
0x7f: {  	[bflag:$0x3] =	sbarrier.arrive $0xFFFF  }
0x80: {  	_ =	shalt  }

</sc_bundles>
